<compile_context>
chip_gen: v7x
topology: tpu7x:2x2x1
jax: 0.10.2.dev20260603
libtpu: 0.0.44.dev20260713+nightly
codegen_flags: <defaults>
</compile_context>

<pallas_src>
import functools

import jax
import jax.numpy as jnp
from jax import lax
from jax.experimental import pallas as pl
from jax.experimental.pallas import tpu as pltpu
from jax.experimental.pallas import tpu_sc as plsc

DIM = 256
N = 2048
NHEADS = 8
HD = DIM // NHEADS
ALPHA = 0.2
BR = 512
NBLK = N // BR
WHX = 128

_NC = 2
_NS = 16
_NW = _NC * _NS
_BPW = N // _NW


def _gather_sc(emb, nodes):
    mesh = plsc.VectorSubcoreMesh(core_axis_name="c", subcore_axis_name="s")

    @functools.partial(
        pl.kernel,
        mesh=mesh,
        out_type=jax.ShapeDtypeStruct((N, DIM), jnp.float32),
        scratch_types=[
            pltpu.VMEM((_BPW,), jnp.int32),
            pltpu.VMEM((_BPW, DIM), jnp.float32),
            pltpu.SemaphoreType.DMA,
        ],
    )
    def k(emb_hbm, idx_hbm, out_hbm, idx_v, rows_v, sem):
        wid = lax.axis_index("s") * _NC + lax.axis_index("c")
        base = wid * _BPW
        pltpu.sync_copy(idx_hbm.at[pl.ds(base, _BPW)], idx_v)
        pltpu.async_copy(emb_hbm.at[idx_v], rows_v, sem).wait()
        pltpu.sync_copy(rows_v, out_hbm.at[pl.ds(base, _BPW)])

    return k(emb, nodes)


def _unit_setup(hv, wcat, amat, whx_s, us_s, vt_s):
    wh = jnp.dot(hv, wcat, preferred_element_type=jnp.float32)
    e = jnp.dot(wh, amat, preferred_element_type=jnp.float32)
    et = e.T
    est = et[:NHEADS, :]
    edt = et[NHEADS:, :]
    ms = jnp.max(est, axis=1, keepdims=True)
    md = jnp.max(edt, axis=1, keepdims=True)
    m = ms + md
    u1t = jnp.exp(est - ms)
    uat = jnp.exp(ALPHA * (est - ms))
    v1t = jnp.exp(edt - md)
    vat = jnp.exp(ALPHA * (edt - md) - (1.0 - ALPHA) * m)
    vt_s[...] = jnp.concatenate([v1t, vat], axis=0).astype(jnp.bfloat16)
    us_s[...] = jnp.concatenate([u1t, uat], axis=0).T.astype(jnp.bfloat16)
    whb = wh.astype(jnp.bfloat16)
    for h in range(NHEADS):
        whx_s[:, h * WHX:h * WHX + HD] = whb[:, h * HD:(h + 1) * HD]


def _both_units_body(h_ref, wcat_ref, amat_ref, dist_ref, out_ref,
                     whx_s, us_s, vt_s, h1_s):
    i = pl.program_id(0)
    r = i % NBLK

    @pl.when(i == 0)
    def _setup_u1():
        one_col = jnp.ones((N, 1), jnp.bfloat16)
        for h in range(NHEADS):
            whx_s[:, h * WHX + HD:h * WHX + HD + 1] = one_col
        _unit_setup(h_ref[...], wcat_ref[0], amat_ref[0],
                    whx_s, us_s, vt_s)

    @pl.when(i == NBLK)
    def _setup_u2():
        _unit_setup(h1_s[...], wcat_ref[0], amat_ref[0],
                    whx_s, us_s, vt_s)

    adjf = jnp.where(dist_ref[...] > 0.5, 1.0, 0.0).astype(jnp.bfloat16)
    us = us_s[pl.ds(r * BR, BR), :]
    vt = vt_s[...]
    for h in range(NHEADS):
        u1 = us[:, h:h + 1]
        ua = us[:, NHEADS + h:NHEADS + h + 1]
        v1 = vt[h:h + 1, :]
        va = vt[NHEADS + h:NHEADS + h + 1, :]
        p = adjf * jnp.maximum(u1 * v1, ua * va)
        oz = jnp.dot(p, whx_s[:, h * WHX:(h + 1) * WHX],
                     preferred_element_type=jnp.float32)
        o = oz[:, :HD] / oz[:, HD:HD + 1]
        out_ref[:, h * HD:(h + 1) * HD] = jnp.where(o > 0, o, jnp.exp(o) - 1.0)

    @pl.when(i < NBLK)
    def _stash_u1():
        h1_s[pl.ds(r * BR, BR), :] = out_ref[...]


def _gat_tc(h, dist, wcat2, amat2):
    return pl.pallas_call(
        _both_units_body,
        grid=(2 * NBLK,),
        in_specs=[
            pl.BlockSpec((N, DIM), lambda i: (0, 0)),
            pl.BlockSpec((1, DIM, DIM), lambda i: (i // NBLK, 0, 0)),
            pl.BlockSpec((1, DIM, 2 * NHEADS), lambda i: (i // NBLK, 0, 0)),
            pl.BlockSpec((BR, N), lambda i: (i % NBLK, 0)),
        ],
        out_specs=pl.BlockSpec((BR, DIM), lambda i: (jnp.maximum(i - NBLK, 0), 0)),
        out_shape=jax.ShapeDtypeStruct((N, DIM), jnp.float32),
        scratch_shapes=[
            pltpu.VMEM((N, NHEADS * WHX), jnp.bfloat16),
            pltpu.VMEM((N, 2 * NHEADS), jnp.bfloat16),
            pltpu.VMEM((2 * NHEADS, N), jnp.bfloat16),
            pltpu.VMEM((N, DIM), jnp.float32),
        ],
    )(h, wcat2, amat2, dist)


def _build_weights(Ws, As):
    eye = jnp.eye(NHEADS, dtype=jnp.float32)
    wcats, amats = [], []
    for u in range(Ws.shape[0]):
        wcats.append(Ws[u].transpose(1, 0, 2).reshape(DIM, DIM))
        a_src = As[u, :, :HD, 0]
        a_dst = As[u, :, HD:, 0]
        asrc_m = (eye[:, None, :] * a_src[:, :, None]).reshape(DIM, NHEADS)
        adst_m = (eye[:, None, :] * a_dst[:, :, None]).reshape(DIM, NHEADS)
        amats.append(jnp.concatenate([asrc_m, adst_m], axis=1))
    return jnp.stack(wcats), jnp.stack(amats)


def _gat_tc_from_raw(h, dist, Ws, As):
    wcat2, amat2 = _build_weights(Ws, As)
    return _gat_tc(h, dist, wcat2, amat2)


def kernel(nodes, dist, fied, emb, Ws, As):
    h = _gather_sc(emb, nodes)
    return _gat_tc_from_raw(h, dist, Ws, As)

# --- scband reference (transcript-rebuilt; emitter-appended) ---
"""Pipeline reference for scband-gat-58205396795603 (READ-ONLY COPY).

The authoritative reference and input builder live on the scoring server;
editing this copy changes nothing except your own understanding.
"""

import jax, jax.numpy as jnp
import numpy as np

DIM = 256
N_NODES = 2048
NHEADS = 8
N_UNITS = 2
ALPHA = 0.2
HEAD_DIM = DIM // NHEADS


def setup_inputs(seed: int = 0) -> dict:
    key = jax.random.key(seed)
    ks = jax.random.split(key, 4)
    nodes = jnp.arange(N_NODES, dtype=jnp.int32)
    dist = jax.random.uniform(ks[0], (N_NODES, N_NODES), dtype=jnp.float32)
    fied = jnp.zeros((N_NODES,), dtype=jnp.float32)
    gain = 1.414
    emb = jax.random.normal(ks[1], (N_NODES, DIM), dtype=jnp.float32) * gain * (2.0 / (N_NODES + DIM)) ** 0.5
    Ws = jax.random.normal(ks[2], (N_UNITS, NHEADS, DIM, HEAD_DIM), dtype=jnp.float32) * (2.0 / (DIM + HEAD_DIM)) ** 0.5
    As = jax.random.normal(ks[3], (N_UNITS, NHEADS, 2 * HEAD_DIM, 1), dtype=jnp.float32) * 0.1
    return {"nodes": nodes, "dist": dist, "fied": fied, "emb": emb, "Ws": Ws, "As": As}


def _leaky_relu(x, alpha):
    return jnp.where(x > 0, x, alpha * x)


def reference(nodes, dist, fied, emb, Ws, As):
    # embedding lookup (gather)
    h = jnp.take(emb, nodes, axis=0)  # [N, DIM]
    adj = dist > 0.5  # dense adjacency derived from dist matrix
    for u in range(N_UNITS):
        heads = []
        for hd in range(NHEADS):
            Wh = h @ Ws[u, hd]                      # [N, HEAD_DIM]
            e_src = Wh @ As[u, hd, :HEAD_DIM]       # [N, 1]
            e_dst = Wh @ As[u, hd, HEAD_DIM:]       # [N, 1]
            e = _leaky_relu(e_src + e_dst.T, ALPHA) # [N, N]
            e = jnp.where(adj, e, -1e9)
            attn = jax.nn.softmax(e, axis=1)        # [N, N]
            heads.append(attn @ Wh)                 # [N, HEAD_DIM]
        h = jax.nn.elu(jnp.concatenate(heads, axis=1))  # [N, DIM]
    return h

if __name__ == "__main__":
    import jax
    _d = setup_inputs()
    print(jax.jit(kernel)(*tuple(_d.values())))

</pallas_src>

<mosaic_0001>
#map = affine_map<(d0, d1) -> (0, 0)>
#map1 = affine_map<(d0, d1) -> (0)>
module attributes {stable_mosaic.version = 14 : i64} {
  func.func @k(%arg0: i32, %arg1: i32, %arg2: memref<2048x256xf32, #tpu.memory_space<hbm>>, %arg3: memref<2048xi32, #tpu.memory_space<hbm>>, %arg4: memref<2048x256xf32, #tpu.memory_space<hbm>>, %arg5: memref<64xi32, #tpu.memory_space<vmem>>, %arg6: memref<64x256xf32, #tpu.memory_space<vmem>>, %arg7: memref<!tpu.dma_semaphore, #tpu.memory_space<semaphore_mem>>) attributes {dimension_semantics = [#tpu.dimension_semantics<core_parallel>, #tpu.dimension_semantics<subcore_parallel>], iteration_bounds = array<i64: 2, 16>, scalar_prefetch = 0 : i64, scratch_operands = 3 : i64, tpu.core_type = #tpu.core_type<sc_vector_subcore>, window_params = [{transform_indices = #map}, {transform_indices = #map1}, {transform_indices = #map}]} {
    %mul3A = arith.constant 2 : i32
    %mul3A_0 = arith.muli %arg1, %mul3A : i32
    %add3A = arith.addi %mul3A_0, %arg0 : i32
    %mul3A_1 = arith.constant 64 : i32
    %mul3A_2 = arith.muli %add3A, %mul3A_1 : i32
    "tpu.region"() ({
      %run_scoped3A = tpu.sem_alloc : memref<!tpu.dma_semaphore, #tpu.memory_space<semaphore_mem>>
      %dma_start3A_7 = tpu.memref_slice %arg3[%mul3A_2] : memref<2048xi32, #tpu.memory_space<hbm>> -> memref<64xi32, #tpu.memory_space<hbm>>
      %dma_start3A_8 = tpu.memref_slice %arg3[%mul3A_2] : memref<2048xi32, #tpu.memory_space<hbm>> -> memref<64xi32, #tpu.memory_space<hbm>>
      tpu.enqueue_dma source(%dma_start3A_8 : memref<64xi32, #tpu.memory_space<hbm>>) target(%arg5 : memref<64xi32, #tpu.memory_space<vmem>>) target_semaphore(%run_scoped3A : memref<!tpu.dma_semaphore, #tpu.memory_space<semaphore_mem>>)
      %dma_wait3A_9 = tpu.memref_slice %arg3[%mul3A_2] : memref<2048xi32, #tpu.memory_space<hbm>> -> memref<64xi32, #tpu.memory_space<hbm>>
      %dma_wait3A_10 = tpu.memref_slice %arg3[%mul3A_2] : memref<2048xi32, #tpu.memory_space<hbm>> -> memref<64xi32, #tpu.memory_space<hbm>>
      tpu.wait_dma2 semaphore(%run_scoped3A : memref<!tpu.dma_semaphore, #tpu.memory_space<semaphore_mem>>) src(%dma_wait3A_10 : memref<64xi32, #tpu.memory_space<hbm>>) dst(%arg5 : memref<64xi32, #tpu.memory_space<vmem>>)
      tpu.yield
    }) : () -> ()
    %dma_start3A = arith.constant 0 : i32
    %dma_start3A_3 = arith.constant 0 : i32
    %dma_start3A_4 = tpu.memref_slice %arg2[%dma_start3A, %dma_start3A_3] : memref<2048x256xf32, #tpu.memory_space<hbm>> -> memref<2048x256xf32, #tpu.memory_space<hbm>>
    tpu.enqueue_indirect_dma source(%dma_start3A_4 : memref<2048x256xf32, #tpu.memory_space<hbm>>) target(%arg6 : memref<64x256xf32, #tpu.memory_space<vmem>>) offsets(%arg5 : memref<64xi32, #tpu.memory_space<vmem>>) semaphore(%arg7 : memref<!tpu.dma_semaphore, #tpu.memory_space<semaphore_mem>>)
    %dma_wait3A = arith.constant 0 : i32
    %dma_wait3A_5 = arith.constant 0 : i32
    %dma_wait3A_6 = tpu.memref_slice %arg2[%dma_wait3A, %dma_wait3A_5] : memref<2048x256xf32, #tpu.memory_space<hbm>> -> memref<2048x256xf32, #tpu.memory_space<hbm>>
    tpu.wait_indirect_dma semaphore(%arg7 : memref<!tpu.dma_semaphore, #tpu.memory_space<semaphore_mem>>) src(%dma_wait3A_6 : memref<2048x256xf32, #tpu.memory_space<hbm>>) dst(%arg6 : memref<64x256xf32, #tpu.memory_space<vmem>>)
    "tpu.region"() ({
      %run_scoped3A = tpu.sem_alloc : memref<!tpu.dma_semaphore, #tpu.memory_space<semaphore_mem>>
      %dma_start3A_7 = arith.constant 0 : i32
      %dma_start3A_8 = tpu.memref_slice %arg4[%mul3A_2, %dma_start3A_7] : memref<2048x256xf32, #tpu.memory_space<hbm>> -> memref<64x256xf32, #tpu.memory_space<hbm>>
      %dma_start3A_9 = arith.constant 0 : i32
      %dma_start3A_10 = tpu.memref_slice %arg4[%mul3A_2, %dma_start3A_9] : memref<2048x256xf32, #tpu.memory_space<hbm>> -> memref<64x256xf32, #tpu.memory_space<hbm>>
      tpu.enqueue_dma source(%arg6 : memref<64x256xf32, #tpu.memory_space<vmem>>) target(%dma_start3A_10 : memref<64x256xf32, #tpu.memory_space<hbm>>) target_semaphore(%run_scoped3A : memref<!tpu.dma_semaphore, #tpu.memory_space<semaphore_mem>>)
      %dma_wait3A_11 = arith.constant 0 : i32
      %dma_wait3A_12 = tpu.memref_slice %arg4[%mul3A_2, %dma_wait3A_11] : memref<2048x256xf32, #tpu.memory_space<hbm>> -> memref<64x256xf32, #tpu.memory_space<hbm>>
      %dma_wait3A_13 = arith.constant 0 : i32
      %dma_wait3A_14 = tpu.memref_slice %arg4[%mul3A_2, %dma_wait3A_13] : memref<2048x256xf32, #tpu.memory_space<hbm>> -> memref<64x256xf32, #tpu.memory_space<hbm>>
      tpu.wait_dma2 semaphore(%run_scoped3A : memref<!tpu.dma_semaphore, #tpu.memory_space<semaphore_mem>>) src(%arg6 : memref<64x256xf32, #tpu.memory_space<vmem>>) dst(%dma_wait3A_14 : memref<64x256xf32, #tpu.memory_space<hbm>>)
      tpu.yield
    }) : () -> ()
    return
  }
}

module attributes {stable_mosaic.version = 14 : i64} {
  func.func @_both_units_body(%arg0: i32, %arg1: memref<2048x256xf32, #tpu.memory_space<vmem>>, %arg2: memref<1x256x256xf32, #tpu.memory_space<vmem>>, %arg3: memref<1x256x16xf32, #tpu.memory_space<vmem>>, %arg4: memref<512x2048xf32, #tpu.memory_space<vmem>>, %arg5: memref<512x256xf32, #tpu.memory_space<vmem>>, %arg6: memref<2048x1024xbf16, #tpu.memory_space<vmem>>, %arg7: memref<2048x16xbf16, #tpu.memory_space<vmem>>, %arg8: memref<16x2048xbf16, #tpu.memory_space<vmem>>, %arg9: memref<2048x256xf32, #tpu.memory_space<vmem>>) attributes {dimension_semantics = [#tpu.dimension_semantics<arbitrary>], iteration_bounds = array<i64: 8>, scalar_prefetch = 0 : i64, scratch_operands = 4 : i64, tpu.core_type = #tpu.core_type<tc>, window_params = [{pipeline_mode = #tpu.pipeline_mode<synchronous>, transform_indices = @transform_0, window_bounds = array<i64: 2048, 256>}, {transform_indices = @transform_1, window_bounds = array<i64: 1, 256, 256>}, {transform_indices = @transform_2, window_bounds = array<i64: 1, 256, 16>}, {transform_indices = @transform_3, window_bounds = array<i64: 512, 2048>}, {transform_indices = @transform_4, window_bounds = array<i64: 512, 256>}]} {
    %jit3A = arith.constant 4 : i32
    %eq3A = arith.constant 0 : i32
    %eq3A_0 = arith.cmpi eq, %jit3A, %eq3A : i32
    %jit3A_1 = arith.constant 1 : i32
    %select_n3A = arith.select %eq3A_0, %jit3A_1, %jit3A : i32
    %rem3A = arith.remsi %arg0, %select_n3A : i32
    %ne3A = arith.constant 0 : i32
    %ne3A_2 = arith.cmpi ne, %rem3A, %ne3A : i32
    %lt3A = arith.constant 0 : i32
    %lt3A_3 = arith.cmpi slt, %rem3A, %lt3A : i32
    %lt3A_4 = arith.constant 0 : i32
    %lt3A_5 = arith.cmpi slt, %select_n3A, %lt3A_4 : i32
    %ne3A_6 = arith.xori %lt3A_3, %lt3A_5 : i1
    %and3A = arith.andi %ne3A_6, %ne3A_2 : i1
    %add3A = arith.addi %rem3A, %select_n3A : i32
    %select_n3A_7 = arith.select %and3A, %add3A, %rem3A : i32
    %eq3A_8 = arith.constant 0 : i32
    %eq3A_9 = arith.cmpi eq, %arg0, %eq3A_8 : i32
    %convert_element_type3A = arith.extui %eq3A_9 : i1 to i32
    %cond3A = arith.constant 0 : i32
    %cond3A_10 = arith.cmpi ne, %convert_element_type3A, %cond3A : i32
    scf.if %cond3A_10 {
      %broadcast_in_dim3A_286 = arith.constant 1.000000e+00 : bf16
      %broadcast_in_dim3A_287 = vector.broadcast %broadcast_in_dim3A_286 : bf16 to vector<2048x1xbf16>
      %swap3A_288 = arith.constant 0 : index
      %swap3A_289 = arith.constant 32 : index
      %swap3A_290 = vector.load %arg6[%swap3A_288, %swap3A_289] : memref<2048x1024xbf16, #tpu.memory_space<vmem>>, vector<2048x1xbf16>
      tpu.vector_store %arg6[%swap3A_288, %swap3A_289], %broadcast_in_dim3A_287 {strides = array<i32>} : memref<2048x1024xbf16, #tpu.memory_space<vmem>>, vector<2048x1xbf16>,
      %swap3A_291 = arith.constant 0 : index
      %swap3A_292 = arith.constant 160 : index
      %swap3A_293 = vector.load %arg6[%swap3A_291, %swap3A_292] : memref<2048x1024xbf16, #tpu.memory_space<vmem>>, vector<2048x1xbf16>
      tpu.vector_store %arg6[%swap3A_291, %swap3A_292], %broadcast_in_dim3A_287 {strides = array<i32>} : memref<2048x1024xbf16, #tpu.memory_space<vmem>>, vector<2048x1xbf16>,
      %swap3A_294 = arith.constant 0 : index
      %swap3A_295 = arith.constant 288 : index
      %swap3A_296 = vector.load %arg6[%swap3A_294, %swap3A_295] : memref<2048x1024xbf16, #tpu.memory_space<vmem>>, vector<2048x1xbf16>
      tpu.vector_store %arg6[%swap3A_294, %swap3A_295], %broadcast_in_dim3A_287 {strides = array<i32>} : memref<2048x1024xbf16, #tpu.memory_space<vmem>>, vector<2048x1xbf16>,
      %swap3A_297 = arith.constant 0 : index
      %swap3A_298 = arith.constant 416 : index
      %swap3A_299 = vector.load %arg6[%swap3A_297, %swap3A_298] : memref<2048x1024xbf16, #tpu.memory_space<vmem>>, vector<2048x1xbf16>
      tpu.vector_store %arg6[%swap3A_297, %swap3A_298], %broadcast_in_dim3A_287 {strides = array<i32>} : memref<2048x1024xbf16, #tpu.memory_space<vmem>>, vector<2048x1xbf16>,
      %swap3A_300 = arith.constant 0 : index
      %swap3A_301 = arith.constant 544 : index
      %swap3A_302 = vector.load %arg6[%swap3A_300, %swap3A_301] : memref<2048x1024xbf16, #tpu.memory_space<vmem>>, vector<2048x1xbf16>
      tpu.vector_store %arg6[%swap3A_300, %swap3A_301], %broadcast_in_dim3A_287 {strides = array<i32>} : memref<2048x1024xbf16, #tpu.memory_space<vmem>>, vector<2048x1xbf16>,
      %swap3A_303 = arith.constant 0 : index
      %swap3A_304 = arith.constant 672 : index
      %swap3A_305 = vector.load %arg6[%swap3A_303, %swap3A_304] : memref<2048x1024xbf16, #tpu.memory_space<vmem>>, vector<2048x1xbf16>
      tpu.vector_store %arg6[%swap3A_303, %swap3A_304], %broadcast_in_dim3A_287 {strides = array<i32>} : memref<2048x1024xbf16, #tpu.memory_space<vmem>>, vector<2048x1xbf16>,
      %swap3A_306 = arith.constant 0 : index
      %swap3A_307 = arith.constant 800 : index
      %swap3A_308 = vector.load %arg6[%swap3A_306, %swap3A_307] : memref<2048x1024xbf16, #tpu.memory_space<vmem>>, vector<2048x1xbf16>
      tpu.vector_store %arg6[%swap3A_306, %swap3A_307], %broadcast_in_dim3A_287 {strides = array<i32>} : memref<2048x1024xbf16, #tpu.memory_space<vmem>>, vector<2048x1xbf16>,
      %swap3A_309 = arith.constant 0 : index
      %swap3A_310 = arith.constant 928 : index
      %swap3A_311 = vector.load %arg6[%swap3A_309, %swap3A_310] : memref<2048x1024xbf16, #tpu.memory_space<vmem>>, vector<2048x1xbf16>
      tpu.vector_store %arg6[%swap3A_309, %swap3A_310], %broadcast_in_dim3A_287 {strides = array<i32>} : memref<2048x1024xbf16, #tpu.memory_space<vmem>>, vector<2048x1xbf16>,
      %get3A_312 = arith.constant 0 : index
      %get3A_313 = arith.constant 0 : index
      %get3A_314 = vector.load %arg1[%get3A_312, %get3A_313] : memref<2048x256xf32, #tpu.memory_space<vmem>>, vector<2048x256xf32>
      %get3A_315 = arith.constant 0 : index
      %get3A_316 = arith.constant 0 : index
      %get3A_317 = arith.constant 0 : index
      %get3A_318 = vector.load %arg2[%get3A_315, %get3A_316, %get3A_317] : memref<1x256x256xf32, #tpu.memory_space<vmem>>, vector<1x256x256xf32>
      %get3A_319 = vector.shape_cast %get3A_318 : vector<1x256x256xf32> to vector<256x256xf32>
      %get3A_320 = arith.constant 0 : index
      %get3A_321 = arith.constant 0 : index
      %get3A_322 = arith.constant 0 : index
      %get3A_323 = vector.load %arg3[%get3A_320, %get3A_321, %get3A_322] : memref<1x256x16xf32, #tpu.memory_space<vmem>>, vector<1x256x16xf32>
      %get3A_324 = vector.shape_cast %get3A_323 : vector<1x256x16xf32> to vector<256x16xf32>
      %dot_general3A_325 = arith.constant dense<0.000000e+00> : vector<2048x256xf32>
      %dot_general3A_326 = tpu.matmul %get3A_314, %get3A_319, %dot_general3A_325 {dimension_numbers = #tpu.dot_dimension_numbers<[1], [0], [0], [1], [0, 0, 1, 1], [], []>, transpose_lhs_hint = false} : vector<2048x256xf32>, vector<256x256xf32>, vector<2048x256xf32> -> vector<2048x256xf32>
      %dot_general3A_327 = arith.constant dense<0.000000e+00> : vector<2048x16xf32>
      %dot_general3A_328 = tpu.matmul %dot_general3A_326, %get3A_324, %dot_general3A_327 {dimension_numbers = #tpu.dot_dimension_numbers<[1], [0], [0], [1], [0, 0, 1, 1], [], []>, transpose_lhs_hint = false} : vector<2048x256xf32>, vector<256x16xf32>, vector<2048x16xf32> -> vector<2048x16xf32>
      %transpose3A = tpu.transpose %dot_general3A_328, [1, 0] : vector<2048x16xf32> -> vector<16x2048xf32>
      %slice3A_329 = vector.extract_strided_slice %transpose3A {offsets = [0, 0], sizes = [8, 2048], strides = [1, 1]} : vector<16x2048xf32> to vector<8x2048xf32>
      %slice3A_330 = vector.extract_strided_slice %transpose3A {offsets = [8, 0], sizes = [8, 2048], strides = [1, 1]} : vector<16x2048xf32> to vector<8x2048xf32>
      %reduce_max3A = arith.constant dense<0xFF800000> : vector<8xf32>
      %reduce_max3A_331 = vector.multi_reduction <maximumf>, %slice3A_329, %reduce_max3A [1] : vector<8x2048xf32> to vector<8xf32>
      %broadcast_in_dim3A_332 = vector.shape_cast %reduce_max3A_331 : vector<8xf32> to vector<8x1xf32>
      %reduce_max3A_333 = arith.constant dense<0xFF800000> : vector<8xf32>
      %reduce_max3A_334 = vector.multi_reduction <maximumf>, %slice3A_330, %reduce_max3A_333 [1] : vector<8x2048xf32> to vector<8xf32>
      %broadcast_in_dim3A_335 = vector.shape_cast %reduce_max3A_334 : vector<8xf32> to vector<8x1xf32>
      %add3A_336 = arith.addf %broadcast_in_dim3A_332, %broadcast_in_dim3A_335 : vector<8x1xf32>
      %sub3A_337 = vector.broadcast %broadcast_in_dim3A_332 : vector<8x1xf32> to vector<8x2048xf32>
      %sub3A_338 = arith.subf %slice3A_329, %sub3A_337 : vector<8x2048xf32>
      %exp3A_339 = math.exp %sub3A_338 : vector<8x2048xf32>
      %sub3A_340 = vector.broadcast %broadcast_in_dim3A_332 : vector<8x1xf32> to vector<8x2048xf32>
      %sub3A_341 = arith.subf %slice3A_329, %sub3A_340 : vector<8x2048xf32>
      %mul3A_342 = arith.constant 2.000000e-01 : f32
      %mul3A_343 = vector.broadcast %mul3A_342 : f32 to vector<8x2048xf32>
      %mul3A_344 = arith.mulf %mul3A_343, %sub3A_341 : vector<8x2048xf32>
      %exp3A_345 = math.exp %mul3A_344 : vector<8x2048xf32>
      %sub3A_346 = vector.broadcast %broadcast_in_dim3A_335 : vector<8x1xf32> to vector<8x2048xf32>
      %sub3A_347 = arith.subf %slice3A_330, %sub3A_346 : vector<8x2048xf32>
      %exp3A_348 = math.exp %sub3A_347 : vector<8x2048xf32>
      %sub3A_349 = vector.broadcast %broadcast_in_dim3A_335 : vector<8x1xf32> to vector<8x2048xf32>
      %sub3A_350 = arith.subf %slice3A_330, %sub3A_349 : vector<8x2048xf32>
      %mul3A_351 = arith.constant 2.000000e-01 : f32
      %mul3A_352 = vector.broadcast %mul3A_351 : f32 to vector<8x2048xf32>
      %mul3A_353 = arith.mulf %mul3A_352, %sub3A_350 : vector<8x2048xf32>
      %mul3A_354 = arith.constant 8.000000e-01 : f32
      %mul3A_355 = vector.broadcast %mul3A_354 : f32 to vector<8x1xf32>
      %mul3A_356 = arith.mulf %mul3A_355, %add3A_336 : vector<8x1xf32>
      %sub3A_357 = vector.broadcast %mul3A_356 : vector<8x1xf32> to vector<8x2048xf32>
      %sub3A_358 = arith.subf %mul3A_353, %sub3A_357 : vector<8x2048xf32>
      %exp3A_359 = math.exp %sub3A_358 : vector<8x2048xf32>
      %concatenate3A = tpu.concatenate %exp3A_348, %exp3A_359 in 0 : vector<8x2048xf32>, vector<8x2048xf32> -> vector<16x2048xf32>
      %convert_element_type3A_360 = arith.truncf %concatenate3A : vector<16x2048xf32> to vector<16x2048xbf16>
      %swap3A_361 = arith.constant 0 : index
      %swap3A_362 = arith.constant 0 : index
      %swap3A_363 = vector.load %arg8[%swap3A_361, %swap3A_362] : memref<16x2048xbf16, #tpu.memory_space<vmem>>, vector<16x2048xbf16>
      tpu.vector_store %arg8[%swap3A_361, %swap3A_362], %convert_element_type3A_360 {strides = array<i32>} : memref<16x2048xbf16, #tpu.memory_space<vmem>>, vector<16x2048xbf16>,
      %concatenate3A_364 = tpu.concatenate %exp3A_339, %exp3A_345 in 0 : vector<8x2048xf32>, vector<8x2048xf32> -> vector<16x2048xf32>
      %transpose3A_365 = tpu.transpose %concatenate3A_364, [1, 0] : vector<16x2048xf32> -> vector<2048x16xf32>
      %convert_element_type3A_366 = arith.truncf %transpose3A_365 : vector<2048x16xf32> to vector<2048x16xbf16>
      %swap3A_367 = arith.constant 0 : index
      %swap3A_368 = arith.constant 0 : index
      %swap3A_369 = vector.load %arg7[%swap3A_367, %swap3A_368] : memref<2048x16xbf16, #tpu.memory_space<vmem>>, vector<2048x16xbf16>
      tpu.vector_store %arg7[%swap3A_367, %swap3A_368], %convert_element_type3A_366 {strides = array<i32>} : memref<2048x16xbf16, #tpu.memory_space<vmem>>, vector<2048x16xbf16>,
      %convert_element_type3A_370 = arith.truncf %dot_general3A_326 : vector<2048x256xf32> to vector<2048x256xbf16>
      %slice3A_371 = vector.extract_strided_slice %convert_element_type3A_370 {offsets = [0, 0], sizes = [2048, 32], strides = [1, 1]} : vector<2048x256xbf16> to vector<2048x32xbf16>
      %swap3A_372 = arith.constant 0 : index
      %swap3A_373 = arith.constant 0 : index
      %swap3A_374 = vector.load %arg6[%swap3A_372, %swap3A_373] : memref<2048x1024xbf16, #tpu.memory_space<vmem>>, vector<2048x32xbf16>
      tpu.vector_store %arg6[%swap3A_372, %swap3A_373], %slice3A_371 {strides = array<i32>} : memref<2048x1024xbf16, #tpu.memory_space<vmem>>, vector<2048x32xbf16>,
      %slice3A_375 = vector.extract_strided_slice %convert_element_type3A_370 {offsets = [0, 32], sizes = [2048, 32], strides = [1, 1]} : vector<2048x256xbf16> to vector<2048x32xbf16>
      %swap3A_376 = arith.constant 0 : index
      %swap3A_377 = arith.constant 128 : index
      %swap3A_378 = vector.load %arg6[%swap3A_376, %swap3A_377] : memref<2048x1024xbf16, #tpu.memory_space<vmem>>, vector<2048x32xbf16>
      tpu.vector_store %arg6[%swap3A_376, %swap3A_377], %slice3A_375 {strides = array<i32>} : memref<2048x1024xbf16, #tpu.memory_space<vmem>>, vector<2048x32xbf16>,
      %slice3A_379 = vector.extract_strided_slice %convert_element_type3A_370 {offsets = [0, 64], sizes = [2048, 32], strides = [1, 1]} : vector<2048x256xbf16> to vector<2048x32xbf16>
      %swap3A_380 = arith.constant 0 : index
      %swap3A_381 = arith.constant 256 : index
      %swap3A_382 = vector.load %arg6[%swap3A_380, %swap3A_381] : memref<2048x1024xbf16, #tpu.memory_space<vmem>>, vector<2048x32xbf16>
      tpu.vector_store %arg6[%swap3A_380, %swap3A_381], %slice3A_379 {strides = array<i32>} : memref<2048x1024xbf16, #tpu.memory_space<vmem>>, vector<2048x32xbf16>,
      %slice3A_383 = vector.extract_strided_slice %convert_element_type3A_370 {offsets = [0, 96], sizes = [2048, 32], strides = [1, 1]} : vector<2048x256xbf16> to vector<2048x32xbf16>
      %swap3A_384 = arith.constant 0 : index
      %swap3A_385 = arith.constant 384 : index
      %swap3A_386 = vector.load %arg6[%swap3A_384, %swap3A_385] : memref<2048x1024xbf16, #tpu.memory_space<vmem>>, vector<2048x32xbf16>
      tpu.vector_store %arg6[%swap3A_384, %swap3A_385], %slice3A_383 {strides = array<i32>} : memref<2048x1024xbf16, #tpu.memory_space<vmem>>, vector<2048x32xbf16>,
      %slice3A_387 = vector.extract_strided_slice %convert_element_type3A_370 {offsets = [0, 128], sizes = [2048, 32], strides = [1, 1]} : vector<2048x256xbf16> to vector<2048x32xbf16>
      %swap3A_388 = arith.constant 0 : index
      %swap3A_389 = arith.constant 512 : index
      %swap3A_390 = vector.load %arg6[%swap3A_388, %swap3A_389] : memref<2048x1024xbf16, #tpu.memory_space<vmem>>, vector<2048x32xbf16>
      tpu.vector_store %arg6[%swap3A_388, %swap3A_389], %slice3A_387 {strides = array<i32>} : memref<2048x1024xbf16, #tpu.memory_space<vmem>>, vector<2048x32xbf16>,
      %slice3A_391 = vector.extract_strided_slice %convert_element_type3A_370 {offsets = [0, 160], sizes = [2048, 32], strides = [1, 1]} : vector<2048x256xbf16> to vector<2048x32xbf16>
      %swap3A_392 = arith.constant 0 : index
      %swap3A_393 = arith.constant 640 : index
      %swap3A_394 = vector.load %arg6[%swap3A_392, %swap3A_393] : memref<2048x1024xbf16, #tpu.memory_space<vmem>>, vector<2048x32xbf16>
      tpu.vector_store %arg6[%swap3A_392, %swap3A_393], %slice3A_391 {strides = array<i32>} : memref<2048x1024xbf16, #tpu.memory_space<vmem>>, vector<2048x32xbf16>,
      %slice3A_395 = vector.extract_strided_slice %convert_element_type3A_370 {offsets = [0, 192], sizes = [2048, 32], strides = [1, 1]} : vector<2048x256xbf16> to vector<2048x32xbf16>
      %swap3A_396 = arith.constant 0 : index
      %swap3A_397 = arith.constant 768 : index
      %swap3A_398 = vector.load %arg6[%swap3A_396, %swap3A_397] : memref<2048x1024xbf16, #tpu.memory_space<vmem>>, vector<2048x32xbf16>
      tpu.vector_store %arg6[%swap3A_396, %swap3A_397], %slice3A_395 {strides = array<i32>} : memref<2048x1024xbf16, #tpu.memory_space<vmem>>, vector<2048x32xbf16>,
      %slice3A_399 = vector.extract_strided_slice %convert_element_type3A_370 {offsets = [0, 224], sizes = [2048, 32], strides = [1, 1]} : vector<2048x256xbf16> to vector<2048x32xbf16>
      %swap3A_400 = arith.constant 0 : index
      %swap3A_401 = arith.constant 896 : index
      %swap3A_402 = vector.load %arg6[%swap3A_400, %swap3A_401] : memref<2048x1024xbf16, #tpu.memory_space<vmem>>, vector<2048x32xbf16>
      tpu.vector_store %arg6[%swap3A_400, %swap3A_401], %slice3A_399 {strides = array<i32>} : memref<2048x1024xbf16, #tpu.memory_space<vmem>>, vector<2048x32xbf16>,
    } else {
    }
    %eq3A_11 = arith.constant 4 : i32
    %eq3A_12 = arith.cmpi eq, %arg0, %eq3A_11 : i32
    %convert_element_type3A_13 = arith.extui %eq3A_12 : i1 to i32
    %cond3A_14 = arith.constant 0 : i32
    %cond3A_15 = arith.cmpi ne, %convert_element_type3A_13, %cond3A_14 : i32
    scf.if %cond3A_15 {
      %get3A_286 = arith.constant 0 : index
      %get3A_287 = arith.constant 0 : index
      %get3A_288 = vector.load %arg9[%get3A_286, %get3A_287] : memref<2048x256xf32, #tpu.memory_space<vmem>>, vector<2048x256xf32>
      %get3A_289 = arith.constant 0 : index
      %get3A_290 = arith.constant 0 : index
      %get3A_291 = arith.constant 0 : index
      %get3A_292 = vector.load %arg2[%get3A_289, %get3A_290, %get3A_291] : memref<1x256x256xf32, #tpu.memory_space<vmem>>, vector<1x256x256xf32>
      %get3A_293 = vector.shape_cast %get3A_292 : vector<1x256x256xf32> to vector<256x256xf32>
      %get3A_294 = arith.constant 0 : index
      %get3A_295 = arith.constant 0 : index
      %get3A_296 = arith.constant 0 : index
      %get3A_297 = vector.load %arg3[%get3A_294, %get3A_295, %get3A_296] : memref<1x256x16xf32, #tpu.memory_space<vmem>>, vector<1x256x16xf32>
      %get3A_298 = vector.shape_cast %get3A_297 : vector<1x256x16xf32> to vector<256x16xf32>
      %dot_general3A_299 = arith.constant dense<0.000000e+00> : vector<2048x256xf32>
      %dot_general3A_300 = tpu.matmul %get3A_288, %get3A_293, %dot_general3A_299 {dimension_numbers = #tpu.dot_dimension_numbers<[1], [0], [0], [1], [0, 0, 1, 1], [], []>, transpose_lhs_hint = false} : vector<2048x256xf32>, vector<256x256xf32>, vector<2048x256xf32> -> vector<2048x256xf32>
      %dot_general3A_301 = arith.constant dense<0.000000e+00> : vector<2048x16xf32>
      %dot_general3A_302 = tpu.matmul %dot_general3A_300, %get3A_298, %dot_general3A_301 {dimension_numbers = #tpu.dot_dimension_numbers<[1], [0], [0], [1], [0, 0, 1, 1], [], []>, transpose_lhs_hint = false} : vector<2048x256xf32>, vector<256x16xf32>, vector<2048x16xf32> -> vector<2048x16xf32>
      %transpose3A = tpu.transpose %dot_general3A_302, [1, 0] : vector<2048x16xf32> -> vector<16x2048xf32>
      %slice3A_303 = vector.extract_strided_slice %transpose3A {offsets = [0, 0], sizes = [8, 2048], strides = [1, 1]} : vector<16x2048xf32> to vector<8x2048xf32>
      %slice3A_304 = vector.extract_strided_slice %transpose3A {offsets = [8, 0], sizes = [8, 2048], strides = [1, 1]} : vector<16x2048xf32> to vector<8x2048xf32>
      %reduce_max3A = arith.constant dense<0xFF800000> : vector<8xf32>
      %reduce_max3A_305 = vector.multi_reduction <maximumf>, %slice3A_303, %reduce_max3A [1] : vector<8x2048xf32> to vector<8xf32>
      %broadcast_in_dim3A_306 = vector.shape_cast %reduce_max3A_305 : vector<8xf32> to vector<8x1xf32>
      %reduce_max3A_307 = arith.constant dense<0xFF800000> : vector<8xf32>
      %reduce_max3A_308 = vector.multi_reduction <maximumf>, %slice3A_304, %reduce_max3A_307 [1] : vector<8x2048xf32> to vector<8xf32>
      %broadcast_in_dim3A_309 = vector.shape_cast %reduce_max3A_308 : vector<8xf32> to vector<8x1xf32>
      %add3A_310 = arith.addf %broadcast_in_dim3A_306, %broadcast_in_dim3A_309 : vector<8x1xf32>
      %sub3A_311 = vector.broadcast %broadcast_in_dim3A_306 : vector<8x1xf32> to vector<8x2048xf32>
      %sub3A_312 = arith.subf %slice3A_303, %sub3A_311 : vector<8x2048xf32>
      %exp3A_313 = math.exp %sub3A_312 : vector<8x2048xf32>
      %sub3A_314 = vector.broadcast %broadcast_in_dim3A_306 : vector<8x1xf32> to vector<8x2048xf32>
      %sub3A_315 = arith.subf %slice3A_303, %sub3A_314 : vector<8x2048xf32>
      %mul3A_316 = arith.constant 2.000000e-01 : f32
      %mul3A_317 = vector.broadcast %mul3A_316 : f32 to vector<8x2048xf32>
      %mul3A_318 = arith.mulf %mul3A_317, %sub3A_315 : vector<8x2048xf32>
      %exp3A_319 = math.exp %mul3A_318 : vector<8x2048xf32>
      %sub3A_320 = vector.broadcast %broadcast_in_dim3A_309 : vector<8x1xf32> to vector<8x2048xf32>
      %sub3A_321 = arith.subf %slice3A_304, %sub3A_320 : vector<8x2048xf32>
      %exp3A_322 = math.exp %sub3A_321 : vector<8x2048xf32>
      %sub3A_323 = vector.broadcast %broadcast_in_dim3A_309 : vector<8x1xf32> to vector<8x2048xf32>
      %sub3A_324 = arith.subf %slice3A_304, %sub3A_323 : vector<8x2048xf32>
      %mul3A_325 = arith.constant 2.000000e-01 : f32
      %mul3A_326 = vector.broadcast %mul3A_325 : f32 to vector<8x2048xf32>
      %mul3A_327 = arith.mulf %mul3A_326, %sub3A_324 : vector<8x2048xf32>
      %mul3A_328 = arith.constant 8.000000e-01 : f32
      %mul3A_329 = vector.broadcast %mul3A_328 : f32 to vector<8x1xf32>
      %mul3A_330 = arith.mulf %mul3A_329, %add3A_310 : vector<8x1xf32>
      %sub3A_331 = vector.broadcast %mul3A_330 : vector<8x1xf32> to vector<8x2048xf32>
      %sub3A_332 = arith.subf %mul3A_327, %sub3A_331 : vector<8x2048xf32>
      %exp3A_333 = math.exp %sub3A_332 : vector<8x2048xf32>
      %concatenate3A = tpu.concatenate %exp3A_322, %exp3A_333 in 0 : vector<8x2048xf32>, vector<8x2048xf32> -> vector<16x2048xf32>
      %convert_element_type3A_334 = arith.truncf %concatenate3A : vector<16x2048xf32> to vector<16x2048xbf16>
      %swap3A_335 = arith.constant 0 : index
      %swap3A_336 = arith.constant 0 : index
      %swap3A_337 = vector.load %arg8[%swap3A_335, %swap3A_336] : memref<16x2048xbf16, #tpu.memory_space<vmem>>, vector<16x2048xbf16>
      tpu.vector_store %arg8[%swap3A_335, %swap3A_336], %convert_element_type3A_334 {strides = array<i32>} : memref<16x2048xbf16, #tpu.memory_space<vmem>>, vector<16x2048xbf16>,
      %concatenate3A_338 = tpu.concatenate %exp3A_313, %exp3A_319 in 0 : vector<8x2048xf32>, vector<8x2048xf32> -> vector<16x2048xf32>
      %transpose3A_339 = tpu.transpose %concatenate3A_338, [1, 0] : vector<16x2048xf32> -> vector<2048x16xf32>
      %convert_element_type3A_340 = arith.truncf %transpose3A_339 : vector<2048x16xf32> to vector<2048x16xbf16>
      %swap3A_341 = arith.constant 0 : index
      %swap3A_342 = arith.constant 0 : index
      %swap3A_343 = vector.load %arg7[%swap3A_341, %swap3A_342] : memref<2048x16xbf16, #tpu.memory_space<vmem>>, vector<2048x16xbf16>
      tpu.vector_store %arg7[%swap3A_341, %swap3A_342], %convert_element_type3A_340 {strides = array<i32>} : memref<2048x16xbf16, #tpu.memory_space<vmem>>, vector<2048x16xbf16>,
      %convert_element_type3A_344 = arith.truncf %dot_general3A_300 : vector<2048x256xf32> to vector<2048x256xbf16>
      %slice3A_345 = vector.extract_strided_slice %convert_element_type3A_344 {offsets = [0, 0], sizes = [2048, 32], strides = [1, 1]} : vector<2048x256xbf16> to vector<2048x32xbf16>
      %swap3A_346 = arith.constant 0 : index
      %swap3A_347 = arith.constant 0 : index
      %swap3A_348 = vector.load %arg6[%swap3A_346, %swap3A_347] : memref<2048x1024xbf16, #tpu.memory_space<vmem>>, vector<2048x32xbf16>
      tpu.vector_store %arg6[%swap3A_346, %swap3A_347], %slice3A_345 {strides = array<i32>} : memref<2048x1024xbf16, #tpu.memory_space<vmem>>, vector<2048x32xbf16>,
      %slice3A_349 = vector.extract_strided_slice %convert_element_type3A_344 {offsets = [0, 32], sizes = [2048, 32], strides = [1, 1]} : vector<2048x256xbf16> to vector<2048x32xbf16>
      %swap3A_350 = arith.constant 0 : index
      %swap3A_351 = arith.constant 128 : index
      %swap3A_352 = vector.load %arg6[%swap3A_350, %swap3A_351] : memref<2048x1024xbf16, #tpu.memory_space<vmem>>, vector<2048x32xbf16>
      tpu.vector_store %arg6[%swap3A_350, %swap3A_351], %slice3A_349 {strides = array<i32>} : memref<2048x1024xbf16, #tpu.memory_space<vmem>>, vector<2048x32xbf16>,
      %slice3A_353 = vector.extract_strided_slice %convert_element_type3A_344 {offsets = [0, 64], sizes = [2048, 32], strides = [1, 1]} : vector<2048x256xbf16> to vector<2048x32xbf16>
      %swap3A_354 = arith.constant 0 : index
      %swap3A_355 = arith.constant 256 : index
      %swap3A_356 = vector.load %arg6[%swap3A_354, %swap3A_355] : memref<2048x1024xbf16, #tpu.memory_space<vmem>>, vector<2048x32xbf16>
      tpu.vector_store %arg6[%swap3A_354, %swap3A_355], %slice3A_353 {strides = array<i32>} : memref<2048x1024xbf16, #tpu.memory_space<vmem>>, vector<2048x32xbf16>,
      %slice3A_357 = vector.extract_strided_slice %convert_element_type3A_344 {offsets = [0, 96], sizes = [2048, 32], strides = [1, 1]} : vector<2048x256xbf16> to vector<2048x32xbf16>
      %swap3A_358 = arith.constant 0 : index
      %swap3A_359 = arith.constant 384 : index
      %swap3A_360 = vector.load %arg6[%swap3A_358, %swap3A_359] : memref<2048x1024xbf16, #tpu.memory_space<vmem>>, vector<2048x32xbf16>
      tpu.vector_store %arg6[%swap3A_358, %swap3A_359], %slice3A_357 {strides = array<i32>} : memref<2048x1024xbf16, #tpu.memory_space<vmem>>, vector<2048x32xbf16>,
      %slice3A_361 = vector.extract_strided_slice %convert_element_type3A_344 {offsets = [0, 128], sizes = [2048, 32], strides = [1, 1]} : vector<2048x256xbf16> to vector<2048x32xbf16>
      %swap3A_362 = arith.constant 0 : index
      %swap3A_363 = arith.constant 512 : index
      %swap3A_364 = vector.load %arg6[%swap3A_362, %swap3A_363] : memref<2048x1024xbf16, #tpu.memory_space<vmem>>, vector<2048x32xbf16>
      tpu.vector_store %arg6[%swap3A_362, %swap3A_363], %slice3A_361 {strides = array<i32>} : memref<2048x1024xbf16, #tpu.memory_space<vmem>>, vector<2048x32xbf16>,
      %slice3A_365 = vector.extract_strided_slice %convert_element_type3A_344 {offsets = [0, 160], sizes = [2048, 32], strides = [1, 1]} : vector<2048x256xbf16> to vector<2048x32xbf16>
      %swap3A_366 = arith.constant 0 : index
      %swap3A_367 = arith.constant 640 : index
      %swap3A_368 = vector.load %arg6[%swap3A_366, %swap3A_367] : memref<2048x1024xbf16, #tpu.memory_space<vmem>>, vector<2048x32xbf16>
      tpu.vector_store %arg6[%swap3A_366, %swap3A_367], %slice3A_365 {strides = array<i32>} : memref<2048x1024xbf16, #tpu.memory_space<vmem>>, vector<2048x32xbf16>,
      %slice3A_369 = vector.extract_strided_slice %convert_element_type3A_344 {offsets = [0, 192], sizes = [2048, 32], strides = [1, 1]} : vector<2048x256xbf16> to vector<2048x32xbf16>
      %swap3A_370 = arith.constant 0 : index
      %swap3A_371 = arith.constant 768 : index
      %swap3A_372 = vector.load %arg6[%swap3A_370, %swap3A_371] : memref<2048x1024xbf16, #tpu.memory_space<vmem>>, vector<2048x32xbf16>
      tpu.vector_store %arg6[%swap3A_370, %swap3A_371], %slice3A_369 {strides = array<i32>} : memref<2048x1024xbf16, #tpu.memory_space<vmem>>, vector<2048x32xbf16>,
      %slice3A_373 = vector.extract_strided_slice %convert_element_type3A_344 {offsets = [0, 224], sizes = [2048, 32], strides = [1, 1]} : vector<2048x256xbf16> to vector<2048x32xbf16>
      %swap3A_374 = arith.constant 0 : index
      %swap3A_375 = arith.constant 896 : index
      %swap3A_376 = vector.load %arg6[%swap3A_374, %swap3A_375] : memref<2048x1024xbf16, #tpu.memory_space<vmem>>, vector<2048x32xbf16>
      tpu.vector_store %arg6[%swap3A_374, %swap3A_375], %slice3A_373 {strides = array<i32>} : memref<2048x1024xbf16, #tpu.memory_space<vmem>>, vector<2048x32xbf16>,
    } else {
    }
    %get3A = arith.constant 0 : index
    %get3A_16 = arith.constant 0 : index
    %get3A_17 = vector.load %arg4[%get3A, %get3A_16] : memref<512x2048xf32, #tpu.memory_space<vmem>>, vector<512x2048xf32>
    %gt3A = arith.constant 5.000000e-01 : f32
    %gt3A_18 = vector.broadcast %gt3A : f32 to vector<512x2048xf32>
    %gt3A_19 = arith.cmpf ogt, %get3A_17, %gt3A_18 : vector<512x2048xf32>
    %jit3A_20 = arith.constant 1.000000e+00 : f32
    %jit3A_21 = arith.constant 0.000000e+00 : f32
    %broadcast_in_dim3A = vector.broadcast %jit3A_20 : f32 to vector<512x2048xf32>
    %broadcast_in_dim3A_22 = vector.broadcast %jit3A_21 : f32 to vector<512x2048xf32>
    %select_n3A_23 = arith.select %gt3A_19, %broadcast_in_dim3A, %broadcast_in_dim3A_22 : vector<512x2048xi1>, vector<512x2048xf32>
    %convert_element_type3A_24 = arith.truncf %select_n3A_23 : vector<512x2048xf32> to vector<512x2048xbf16>
    %mul3A = arith.constant 512 : i32
    %mul3A_25 = arith.muli %select_n3A_7, %mul3A : i32
    %get3A_26 = arith.index_cast %mul3A_25 : i32 to index
    %get3A_27 = arith.constant 0 : index
    %get3A_28 = vector.load %arg7[%get3A_26, %get3A_27] : memref<2048x16xbf16, #tpu.memory_space<vmem>>, vector<512x16xbf16>
    %get3A_29 = arith.constant 0 : index
    %get3A_30 = arith.constant 0 : index
    %get3A_31 = vector.load %arg8[%get3A_29, %get3A_30] : memref<16x2048xbf16, #tpu.memory_space<vmem>>, vector<16x2048xbf16>
    %slice3A = vector.extract_strided_slice %get3A_28 {offsets = [0, 0], sizes = [512, 1], strides = [1, 1]} : vector<512x16xbf16> to vector<512x1xbf16>
    %slice3A_32 = vector.extract_strided_slice %get3A_28 {offsets = [0, 8], sizes = [512, 1], strides = [1, 1]} : vector<512x16xbf16> to vector<512x1xbf16>
    %slice3A_33 = vector.extract_strided_slice %get3A_31 {offsets = [0, 0], sizes = [1, 2048], strides = [1, 1]} : vector<16x2048xbf16> to vector<1x2048xbf16>
    %slice3A_34 = vector.extract_strided_slice %get3A_31 {offsets = [8, 0], sizes = [1, 2048], strides = [1, 1]} : vector<16x2048xbf16> to vector<1x2048xbf16>
    %mul3A_35 = vector.broadcast %slice3A : vector<512x1xbf16> to vector<512x2048xbf16>
    %mul3A_36 = vector.broadcast %slice3A_33 : vector<1x2048xbf16> to vector<512x2048xbf16>
    %mul3A_37 = arith.mulf %mul3A_35, %mul3A_36 : vector<512x2048xbf16>
    %mul3A_38 = vector.broadcast %slice3A_32 : vector<512x1xbf16> to vector<512x2048xbf16>
    %mul3A_39 = vector.broadcast %slice3A_34 : vector<1x2048xbf16> to vector<512x2048xbf16>
    %mul3A_40 = arith.mulf %mul3A_38, %mul3A_39 : vector<512x2048xbf16>
    %max3A = arith.maximumf %mul3A_37, %mul3A_40 : vector<512x2048xbf16>
    %mul3A_41 = arith.mulf %convert_element_type3A_24, %max3A : vector<512x2048xbf16>
    %get3A_42 = arith.constant 0 : index
    %get3A_43 = arith.constant 0 : index
    %get3A_44 = vector.load %arg6[%get3A_42, %get3A_43] : memref<2048x1024xbf16, #tpu.memory_space<vmem>>, vector<2048x128xbf16>
    %dot_general3A = arith.constant dense<0.000000e+00> : vector<512x128xf32>
    %dot_general3A_45 = tpu.matmul %mul3A_41, %get3A_44, %dot_general3A {dimension_numbers = #tpu.dot_dimension_numbers<[1], [0], [0], [1], [0, 0, 1, 1], [], []>, transpose_lhs_hint = false} : vector<512x2048xbf16>, vector<2048x128xbf16>, vector<512x128xf32> -> vector<512x128xf32>
    %slice3A_46 = vector.extract_strided_slice %dot_general3A_45 {offsets = [0, 0], sizes = [512, 32], strides = [1, 1]} : vector<512x128xf32> to vector<512x32xf32>
    %slice3A_47 = vector.extract_strided_slice %dot_general3A_45 {offsets = [0, 32], sizes = [512, 1], strides = [1, 1]} : vector<512x128xf32> to vector<512x1xf32>
    %div3A = vector.broadcast %slice3A_47 : vector<512x1xf32> to vector<512x32xf32>
    %div3A_48 = arith.divf %slice3A_46, %div3A : vector<512x32xf32>
    %gt3A_49 = arith.constant 0.000000e+00 : f32
    %gt3A_50 = vector.broadcast %gt3A_49 : f32 to vector<512x32xf32>
    %gt3A_51 = arith.cmpf ogt, %div3A_48, %gt3A_50 : vector<512x32xf32>
    %exp3A = math.exp %div3A_48 : vector<512x32xf32>
    %sub3A = arith.constant 1.000000e+00 : f32
    %sub3A_52 = vector.broadcast %sub3A : f32 to vector<512x32xf32>
    %sub3A_53 = arith.subf %exp3A, %sub3A_52 : vector<512x32xf32>
    %select_n3A_54 = arith.select %gt3A_51, %div3A_48, %sub3A_53 : vector<512x32xi1>, vector<512x32xf32>
    %swap3A = arith.constant 0 : index
    %swap3A_55 = arith.constant 0 : index
    %swap3A_56 = vector.load %arg5[%swap3A, %swap3A_55] : memref<512x256xf32, #tpu.memory_space<vmem>>, vector<512x32xf32>
    tpu.vector_store %arg5[%swap3A, %swap3A_55], %select_n3A_54 {strides = array<i32>} : memref<512x256xf32, #tpu.memory_space<vmem>>, vector<512x32xf32>,
    %slice3A_57 = vector.extract_strided_slice %get3A_28 {offsets = [0, 1], sizes = [512, 1], strides = [1, 1]} : vector<512x16xbf16> to vector<512x1xbf16>
    %slice3A_58 = vector.extract_strided_slice %get3A_28 {offsets = [0, 9], sizes = [512, 1], strides = [1, 1]} : vector<512x16xbf16> to vector<512x1xbf16>
    %slice3A_59 = vector.extract_strided_slice %get3A_31 {offsets = [1, 0], sizes = [1, 2048], strides = [1, 1]} : vector<16x2048xbf16> to vector<1x2048xbf16>
    %slice3A_60 = vector.extract_strided_slice %get3A_31 {offsets = [9, 0], sizes = [1, 2048], strides = [1, 1]} : vector<16x2048xbf16> to vector<1x2048xbf16>
    %mul3A_61 = vector.broadcast %slice3A_57 : vector<512x1xbf16> to vector<512x2048xbf16>
    %mul3A_62 = vector.broadcast %slice3A_59 : vector<1x2048xbf16> to vector<512x2048xbf16>
    %mul3A_63 = arith.mulf %mul3A_61, %mul3A_62 : vector<512x2048xbf16>
    %mul3A_64 = vector.broadcast %slice3A_58 : vector<512x1xbf16> to vector<512x2048xbf16>
    %mul3A_65 = vector.broadcast %slice3A_60 : vector<1x2048xbf16> to vector<512x2048xbf16>
    %mul3A_66 = arith.mulf %mul3A_64, %mul3A_65 : vector<512x2048xbf16>
    %max3A_67 = arith.maximumf %mul3A_63, %mul3A_66 : vector<512x2048xbf16>
    %mul3A_68 = arith.mulf %convert_element_type3A_24, %max3A_67 : vector<512x2048xbf16>
    %get3A_69 = arith.constant 0 : index
    %get3A_70 = arith.constant 128 : index
    %get3A_71 = vector.load %arg6[%get3A_69, %get3A_70] : memref<2048x1024xbf16, #tpu.memory_space<vmem>>, vector<2048x128xbf16>
    %dot_general3A_72 = arith.constant dense<0.000000e+00> : vector<512x128xf32>
    %dot_general3A_73 = tpu.matmul %mul3A_68, %get3A_71, %dot_general3A_72 {dimension_numbers = #tpu.dot_dimension_numbers<[1], [0], [0], [1], [0, 0, 1, 1], [], []>, transpose_lhs_hint = false} : vector<512x2048xbf16>, vector<2048x128xbf16>, vector<512x128xf32> -> vector<512x128xf32>
    %slice3A_74 = vector.extract_strided_slice %dot_general3A_73 {offsets = [0, 0], sizes = [512, 32], strides = [1, 1]} : vector<512x128xf32> to vector<512x32xf32>
    %slice3A_75 = vector.extract_strided_slice %dot_general3A_73 {offsets = [0, 32], sizes = [512, 1], strides = [1, 1]} : vector<512x128xf32> to vector<512x1xf32>
    %div3A_76 = vector.broadcast %slice3A_75 : vector<512x1xf32> to vector<512x32xf32>
    %div3A_77 = arith.divf %slice3A_74, %div3A_76 : vector<512x32xf32>
    %gt3A_78 = arith.constant 0.000000e+00 : f32
    %gt3A_79 = vector.broadcast %gt3A_78 : f32 to vector<512x32xf32>
    %gt3A_80 = arith.cmpf ogt, %div3A_77, %gt3A_79 : vector<512x32xf32>
    %exp3A_81 = math.exp %div3A_77 : vector<512x32xf32>
    %sub3A_82 = arith.constant 1.000000e+00 : f32
    %sub3A_83 = vector.broadcast %sub3A_82 : f32 to vector<512x32xf32>
    %sub3A_84 = arith.subf %exp3A_81, %sub3A_83 : vector<512x32xf32>
    %select_n3A_85 = arith.select %gt3A_80, %div3A_77, %sub3A_84 : vector<512x32xi1>, vector<512x32xf32>
    %swap3A_86 = arith.constant 0 : index
    %swap3A_87 = arith.constant 32 : index
    %swap3A_88 = vector.load %arg5[%swap3A_86, %swap3A_87] : memref<512x256xf32, #tpu.memory_space<vmem>>, vector<512x32xf32>
    tpu.vector_store %arg5[%swap3A_86, %swap3A_87], %select_n3A_85 {strides = array<i32>} : memref<512x256xf32, #tpu.memory_space<vmem>>, vector<512x32xf32>,
    %slice3A_89 = vector.extract_strided_slice %get3A_28 {offsets = [0, 2], sizes = [512, 1], strides = [1, 1]} : vector<512x16xbf16> to vector<512x1xbf16>
    %slice3A_90 = vector.extract_strided_slice %get3A_28 {offsets = [0, 10], sizes = [512, 1], strides = [1, 1]} : vector<512x16xbf16> to vector<512x1xbf16>
    %slice3A_91 = vector.extract_strided_slice %get3A_31 {offsets = [2, 0], sizes = [1, 2048], strides = [1, 1]} : vector<16x2048xbf16> to vector<1x2048xbf16>
    %slice3A_92 = vector.extract_strided_slice %get3A_31 {offsets = [10, 0], sizes = [1, 2048], strides = [1, 1]} : vector<16x2048xbf16> to vector<1x2048xbf16>
    %mul3A_93 = vector.broadcast %slice3A_89 : vector<512x1xbf16> to vector<512x2048xbf16>
    %mul3A_94 = vector.broadcast %slice3A_91 : vector<1x2048xbf16> to vector<512x2048xbf16>
    %mul3A_95 = arith.mulf %mul3A_93, %mul3A_94 : vector<512x2048xbf16>
    %mul3A_96 = vector.broadcast %slice3A_90 : vector<512x1xbf16> to vector<512x2048xbf16>
    %mul3A_97 = vector.broadcast %slice3A_92 : vector<1x2048xbf16> to vector<512x2048xbf16>
    %mul3A_98 = arith.mulf %mul3A_96, %mul3A_97 : vector<512x2048xbf16>
    %max3A_99 = arith.maximumf %mul3A_95, %mul3A_98 : vector<512x2048xbf16>
    %mul3A_100 = arith.mulf %convert_element_type3A_24, %max3A_99 : vector<512x2048xbf16>
    %get3A_101 = arith.constant 0 : index
    %get3A_102 = arith.constant 256 : index
    %get3A_103 = vector.load %arg6[%get3A_101, %get3A_102] : memref<2048x1024xbf16, #tpu.memory_space<vmem>>, vector<2048x128xbf16>
    %dot_general3A_104 = arith.constant dense<0.000000e+00> : vector<512x128xf32>
    %dot_general3A_105 = tpu.matmul %mul3A_100, %get3A_103, %dot_general3A_104 {dimension_numbers = #tpu.dot_dimension_numbers<[1], [0], [0], [1], [0, 0, 1, 1], [], []>, transpose_lhs_hint = false} : vector<512x2048xbf16>, vector<2048x128xbf16>, vector<512x128xf32> -> vector<512x128xf32>
    %slice3A_106 = vector.extract_strided_slice %dot_general3A_105 {offsets = [0, 0], sizes = [512, 32], strides = [1, 1]} : vector<512x128xf32> to vector<512x32xf32>
    %slice3A_107 = vector.extract_strided_slice %dot_general3A_105 {offsets = [0, 32], sizes = [512, 1], strides = [1, 1]} : vector<512x128xf32> to vector<512x1xf32>
    %div3A_108 = vector.broadcast %slice3A_107 : vector<512x1xf32> to vector<512x32xf32>
    %div3A_109 = arith.divf %slice3A_106, %div3A_108 : vector<512x32xf32>
    %gt3A_110 = arith.constant 0.000000e+00 : f32
    %gt3A_111 = vector.broadcast %gt3A_110 : f32 to vector<512x32xf32>
    %gt3A_112 = arith.cmpf ogt, %div3A_109, %gt3A_111 : vector<512x32xf32>
    %exp3A_113 = math.exp %div3A_109 : vector<512x32xf32>
    %sub3A_114 = arith.constant 1.000000e+00 : f32
    %sub3A_115 = vector.broadcast %sub3A_114 : f32 to vector<512x32xf32>
    %sub3A_116 = arith.subf %exp3A_113, %sub3A_115 : vector<512x32xf32>
    %select_n3A_117 = arith.select %gt3A_112, %div3A_109, %sub3A_116 : vector<512x32xi1>, vector<512x32xf32>
    %swap3A_118 = arith.constant 0 : index
    %swap3A_119 = arith.constant 64 : index
    %swap3A_120 = vector.load %arg5[%swap3A_118, %swap3A_119] : memref<512x256xf32, #tpu.memory_space<vmem>>, vector<512x32xf32>
    tpu.vector_store %arg5[%swap3A_118, %swap3A_119], %select_n3A_117 {strides = array<i32>} : memref<512x256xf32, #tpu.memory_space<vmem>>, vector<512x32xf32>,
    %slice3A_121 = vector.extract_strided_slice %get3A_28 {offsets = [0, 3], sizes = [512, 1], strides = [1, 1]} : vector<512x16xbf16> to vector<512x1xbf16>
    %slice3A_122 = vector.extract_strided_slice %get3A_28 {offsets = [0, 11], sizes = [512, 1], strides = [1, 1]} : vector<512x16xbf16> to vector<512x1xbf16>
    %slice3A_123 = vector.extract_strided_slice %get3A_31 {offsets = [3, 0], sizes = [1, 2048], strides = [1, 1]} : vector<16x2048xbf16> to vector<1x2048xbf16>
    %slice3A_124 = vector.extract_strided_slice %get3A_31 {offsets = [11, 0], sizes = [1, 2048], strides = [1, 1]} : vector<16x2048xbf16> to vector<1x2048xbf16>
    %mul3A_125 = vector.broadcast %slice3A_121 : vector<512x1xbf16> to vector<512x2048xbf16>
    %mul3A_126 = vector.broadcast %slice3A_123 : vector<1x2048xbf16> to vector<512x2048xbf16>
    %mul3A_127 = arith.mulf %mul3A_125, %mul3A_126 : vector<512x2048xbf16>
    %mul3A_128 = vector.broadcast %slice3A_122 : vector<512x1xbf16> to vector<512x2048xbf16>
    %mul3A_129 = vector.broadcast %slice3A_124 : vector<1x2048xbf16> to vector<512x2048xbf16>
    %mul3A_130 = arith.mulf %mul3A_128, %mul3A_129 : vector<512x2048xbf16>
    %max3A_131 = arith.maximumf %mul3A_127, %mul3A_130 : vector<512x2048xbf16>
    %mul3A_132 = arith.mulf %convert_element_type3A_24, %max3A_131 : vector<512x2048xbf16>
    %get3A_133 = arith.constant 0 : index
    %get3A_134 = arith.constant 384 : index
    %get3A_135 = vector.load %arg6[%get3A_133, %get3A_134] : memref<2048x1024xbf16, #tpu.memory_space<vmem>>, vector<2048x128xbf16>
    %dot_general3A_136 = arith.constant dense<0.000000e+00> : vector<512x128xf32>
    %dot_general3A_137 = tpu.matmul %mul3A_132, %get3A_135, %dot_general3A_136 {dimension_numbers = #tpu.dot_dimension_numbers<[1], [0], [0], [1], [0, 0, 1, 1], [], []>, transpose_lhs_hint = false} : vector<512x2048xbf16>, vector<2048x128xbf16>, vector<512x128xf32> -> vector<512x128xf32>
    %slice3A_138 = vector.extract_strided_slice %dot_general3A_137 {offsets = [0, 0], sizes = [512, 32], strides = [1, 1]} : vector<512x128xf32> to vector<512x32xf32>
    %slice3A_139 = vector.extract_strided_slice %dot_general3A_137 {offsets = [0, 32], sizes = [512, 1], strides = [1, 1]} : vector<512x128xf32> to vector<512x1xf32>
    %div3A_140 = vector.broadcast %slice3A_139 : vector<512x1xf32> to vector<512x32xf32>
    %div3A_141 = arith.divf %slice3A_138, %div3A_140 : vector<512x32xf32>
    %gt3A_142 = arith.constant 0.000000e+00 : f32
    %gt3A_143 = vector.broadcast %gt3A_142 : f32 to vector<512x32xf32>
    %gt3A_144 = arith.cmpf ogt, %div3A_141, %gt3A_143 : vector<512x32xf32>
    %exp3A_145 = math.exp %div3A_141 : vector<512x32xf32>
    %sub3A_146 = arith.constant 1.000000e+00 : f32
    %sub3A_147 = vector.broadcast %sub3A_146 : f32 to vector<512x32xf32>
    %sub3A_148 = arith.subf %exp3A_145, %sub3A_147 : vector<512x32xf32>
    %select_n3A_149 = arith.select %gt3A_144, %div3A_141, %sub3A_148 : vector<512x32xi1>, vector<512x32xf32>
    %swap3A_150 = arith.constant 0 : index
    %swap3A_151 = arith.constant 96 : index
    %swap3A_152 = vector.load %arg5[%swap3A_150, %swap3A_151] : memref<512x256xf32, #tpu.memory_space<vmem>>, vector<512x32xf32>
    tpu.vector_store %arg5[%swap3A_150, %swap3A_151], %select_n3A_149 {strides = array<i32>} : memref<512x256xf32, #tpu.memory_space<vmem>>, vector<512x32xf32>,
    %slice3A_153 = vector.extract_strided_slice %get3A_28 {offsets = [0, 4], sizes = [512, 1], strides = [1, 1]} : vector<512x16xbf16> to vector<512x1xbf16>
    %slice3A_154 = vector.extract_strided_slice %get3A_28 {offsets = [0, 12], sizes = [512, 1], strides = [1, 1]} : vector<512x16xbf16> to vector<512x1xbf16>
    %slice3A_155 = vector.extract_strided_slice %get3A_31 {offsets = [4, 0], sizes = [1, 2048], strides = [1, 1]} : vector<16x2048xbf16> to vector<1x2048xbf16>
    %slice3A_156 = vector.extract_strided_slice %get3A_31 {offsets = [12, 0], sizes = [1, 2048], strides = [1, 1]} : vector<16x2048xbf16> to vector<1x2048xbf16>
    %mul3A_157 = vector.broadcast %slice3A_153 : vector<512x1xbf16> to vector<512x2048xbf16>
    %mul3A_158 = vector.broadcast %slice3A_155 : vector<1x2048xbf16> to vector<512x2048xbf16>
    %mul3A_159 = arith.mulf %mul3A_157, %mul3A_158 : vector<512x2048xbf16>
    %mul3A_160 = vector.broadcast %slice3A_154 : vector<512x1xbf16> to vector<512x2048xbf16>
    %mul3A_161 = vector.broadcast %slice3A_156 : vector<1x2048xbf16> to vector<512x2048xbf16>
    %mul3A_162 = arith.mulf %mul3A_160, %mul3A_161 : vector<512x2048xbf16>
    %max3A_163 = arith.maximumf %mul3A_159, %mul3A_162 : vector<512x2048xbf16>
    %mul3A_164 = arith.mulf %convert_element_type3A_24, %max3A_163 : vector<512x2048xbf16>
    %get3A_165 = arith.constant 0 : index
    %get3A_166 = arith.constant 512 : index
    %get3A_167 = vector.load %arg6[%get3A_165, %get3A_166] : memref<2048x1024xbf16, #tpu.memory_space<vmem>>, vector<2048x128xbf16>
    %dot_general3A_168 = arith.constant dense<0.000000e+00> : vector<512x128xf32>
    %dot_general3A_169 = tpu.matmul %mul3A_164, %get3A_167, %dot_general3A_168 {dimension_numbers = #tpu.dot_dimension_numbers<[1], [0], [0], [1], [0, 0, 1, 1], [], []>, transpose_lhs_hint = false} : vector<512x2048xbf16>, vector<2048x128xbf16>, vector<512x128xf32> -> vector<512x128xf32>
    %slice3A_170 = vector.extract_strided_slice %dot_general3A_169 {offsets = [0, 0], sizes = [512, 32], strides = [1, 1]} : vector<512x128xf32> to vector<512x32xf32>
    %slice3A_171 = vector.extract_strided_slice %dot_general3A_169 {offsets = [0, 32], sizes = [512, 1], strides = [1, 1]} : vector<512x128xf32> to vector<512x1xf32>
    %div3A_172 = vector.broadcast %slice3A_171 : vector<512x1xf32> to vector<512x32xf32>
    %div3A_173 = arith.divf %slice3A_170, %div3A_172 : vector<512x32xf32>
    %gt3A_174 = arith.constant 0.000000e+00 : f32
    %gt3A_175 = vector.broadcast %gt3A_174 : f32 to vector<512x32xf32>
    %gt3A_176 = arith.cmpf ogt, %div3A_173, %gt3A_175 : vector<512x32xf32>
    %exp3A_177 = math.exp %div3A_173 : vector<512x32xf32>
    %sub3A_178 = arith.constant 1.000000e+00 : f32
    %sub3A_179 = vector.broadcast %sub3A_178 : f32 to vector<512x32xf32>
    %sub3A_180 = arith.subf %exp3A_177, %sub3A_179 : vector<512x32xf32>
    %select_n3A_181 = arith.select %gt3A_176, %div3A_173, %sub3A_180 : vector<512x32xi1>, vector<512x32xf32>
    %swap3A_182 = arith.constant 0 : index
    %swap3A_183 = arith.constant 128 : index
    %swap3A_184 = vector.load %arg5[%swap3A_182, %swap3A_183] : memref<512x256xf32, #tpu.memory_space<vmem>>, vector<512x32xf32>
    tpu.vector_store %arg5[%swap3A_182, %swap3A_183], %select_n3A_181 {strides = array<i32>} : memref<512x256xf32, #tpu.memory_space<vmem>>, vector<512x32xf32>,
    %slice3A_185 = vector.extract_strided_slice %get3A_28 {offsets = [0, 5], sizes = [512, 1], strides = [1, 1]} : vector<512x16xbf16> to vector<512x1xbf16>
    %slice3A_186 = vector.extract_strided_slice %get3A_28 {offsets = [0, 13], sizes = [512, 1], strides = [1, 1]} : vector<512x16xbf16> to vector<512x1xbf16>
    %slice3A_187 = vector.extract_strided_slice %get3A_31 {offsets = [5, 0], sizes = [1, 2048], strides = [1, 1]} : vector<16x2048xbf16> to vector<1x2048xbf16>
    %slice3A_188 = vector.extract_strided_slice %get3A_31 {offsets = [13, 0], sizes = [1, 2048], strides = [1, 1]} : vector<16x2048xbf16> to vector<1x2048xbf16>
    %mul3A_189 = vector.broadcast %slice3A_185 : vector<512x1xbf16> to vector<512x2048xbf16>
    %mul3A_190 = vector.broadcast %slice3A_187 : vector<1x2048xbf16> to vector<512x2048xbf16>
    %mul3A_191 = arith.mulf %mul3A_189, %mul3A_190 : vector<512x2048xbf16>
    %mul3A_192 = vector.broadcast %slice3A_186 : vector<512x1xbf16> to vector<512x2048xbf16>
    %mul3A_193 = vector.broadcast %slice3A_188 : vector<1x2048xbf16> to vector<512x2048xbf16>
    %mul3A_194 = arith.mulf %mul3A_192, %mul3A_193 : vector<512x2048xbf16>
    %max3A_195 = arith.maximumf %mul3A_191, %mul3A_194 : vector<512x2048xbf16>
    %mul3A_196 = arith.mulf %convert_element_type3A_24, %max3A_195 : vector<512x2048xbf16>
    %get3A_197 = arith.constant 0 : index
    %get3A_198 = arith.constant 640 : index
    %get3A_199 = vector.load %arg6[%get3A_197, %get3A_198] : memref<2048x1024xbf16, #tpu.memory_space<vmem>>, vector<2048x128xbf16>
    %dot_general3A_200 = arith.constant dense<0.000000e+00> : vector<512x128xf32>
    %dot_general3A_201 = tpu.matmul %mul3A_196, %get3A_199, %dot_general3A_200 {dimension_numbers = #tpu.dot_dimension_numbers<[1], [0], [0], [1], [0, 0, 1, 1], [], []>, transpose_lhs_hint = false} : vector<512x2048xbf16>, vector<2048x128xbf16>, vector<512x128xf32> -> vector<512x128xf32>
    %slice3A_202 = vector.extract_strided_slice %dot_general3A_201 {offsets = [0, 0], sizes = [512, 32], strides = [1, 1]} : vector<512x128xf32> to vector<512x32xf32>
    %slice3A_203 = vector.extract_strided_slice %dot_general3A_201 {offsets = [0, 32], sizes = [512, 1], strides = [1, 1]} : vector<512x128xf32> to vector<512x1xf32>
    %div3A_204 = vector.broadcast %slice3A_203 : vector<512x1xf32> to vector<512x32xf32>
    %div3A_205 = arith.divf %slice3A_202, %div3A_204 : vector<512x32xf32>
    %gt3A_206 = arith.constant 0.000000e+00 : f32
    %gt3A_207 = vector.broadcast %gt3A_206 : f32 to vector<512x32xf32>
    %gt3A_208 = arith.cmpf ogt, %div3A_205, %gt3A_207 : vector<512x32xf32>
    %exp3A_209 = math.exp %div3A_205 : vector<512x32xf32>
    %sub3A_210 = arith.constant 1.000000e+00 : f32
    %sub3A_211 = vector.broadcast %sub3A_210 : f32 to vector<512x32xf32>
    %sub3A_212 = arith.subf %exp3A_209, %sub3A_211 : vector<512x32xf32>
    %select_n3A_213 = arith.select %gt3A_208, %div3A_205, %sub3A_212 : vector<512x32xi1>, vector<512x32xf32>
    %swap3A_214 = arith.constant 0 : index
    %swap3A_215 = arith.constant 160 : index
    %swap3A_216 = vector.load %arg5[%swap3A_214, %swap3A_215] : memref<512x256xf32, #tpu.memory_space<vmem>>, vector<512x32xf32>
    tpu.vector_store %arg5[%swap3A_214, %swap3A_215], %select_n3A_213 {strides = array<i32>} : memref<512x256xf32, #tpu.memory_space<vmem>>, vector<512x32xf32>,
    %slice3A_217 = vector.extract_strided_slice %get3A_28 {offsets = [0, 6], sizes = [512, 1], strides = [1, 1]} : vector<512x16xbf16> to vector<512x1xbf16>
    %slice3A_218 = vector.extract_strided_slice %get3A_28 {offsets = [0, 14], sizes = [512, 1], strides = [1, 1]} : vector<512x16xbf16> to vector<512x1xbf16>
    %slice3A_219 = vector.extract_strided_slice %get3A_31 {offsets = [6, 0], sizes = [1, 2048], strides = [1, 1]} : vector<16x2048xbf16> to vector<1x2048xbf16>
    %slice3A_220 = vector.extract_strided_slice %get3A_31 {offsets = [14, 0], sizes = [1, 2048], strides = [1, 1]} : vector<16x2048xbf16> to vector<1x2048xbf16>
    %mul3A_221 = vector.broadcast %slice3A_217 : vector<512x1xbf16> to vector<512x2048xbf16>
    %mul3A_222 = vector.broadcast %slice3A_219 : vector<1x2048xbf16> to vector<512x2048xbf16>
    %mul3A_223 = arith.mulf %mul3A_221, %mul3A_222 : vector<512x2048xbf16>
    %mul3A_224 = vector.broadcast %slice3A_218 : vector<512x1xbf16> to vector<512x2048xbf16>
    %mul3A_225 = vector.broadcast %slice3A_220 : vector<1x2048xbf16> to vector<512x2048xbf16>
    %mul3A_226 = arith.mulf %mul3A_224, %mul3A_225 : vector<512x2048xbf16>
    %max3A_227 = arith.maximumf %mul3A_223, %mul3A_226 : vector<512x2048xbf16>
    %mul3A_228 = arith.mulf %convert_element_type3A_24, %max3A_227 : vector<512x2048xbf16>
    %get3A_229 = arith.constant 0 : index
    %get3A_230 = arith.constant 768 : index
    %get3A_231 = vector.load %arg6[%get3A_229, %get3A_230] : memref<2048x1024xbf16, #tpu.memory_space<vmem>>, vector<2048x128xbf16>
    %dot_general3A_232 = arith.constant dense<0.000000e+00> : vector<512x128xf32>
    %dot_general3A_233 = tpu.matmul %mul3A_228, %get3A_231, %dot_general3A_232 {dimension_numbers = #tpu.dot_dimension_numbers<[1], [0], [0], [1], [0, 0, 1, 1], [], []>, transpose_lhs_hint = false} : vector<512x2048xbf16>, vector<2048x128xbf16>, vector<512x128xf32> -> vector<512x128xf32>
    %slice3A_234 = vector.extract_strided_slice %dot_general3A_233 {offsets = [0, 0], sizes = [512, 32], strides = [1, 1]} : vector<512x128xf32> to vector<512x32xf32>
    %slice3A_235 = vector.extract_strided_slice %dot_general3A_233 {offsets = [0, 32], sizes = [512, 1], strides = [1, 1]} : vector<512x128xf32> to vector<512x1xf32>
    %div3A_236 = vector.broadcast %slice3A_235 : vector<512x1xf32> to vector<512x32xf32>
    %div3A_237 = arith.divf %slice3A_234, %div3A_236 : vector<512x32xf32>
    %gt3A_238 = arith.constant 0.000000e+00 : f32
    %gt3A_239 = vector.broadcast %gt3A_238 : f32 to vector<512x32xf32>
    %gt3A_240 = arith.cmpf ogt, %div3A_237, %gt3A_239 : vector<512x32xf32>
    %exp3A_241 = math.exp %div3A_237 : vector<512x32xf32>
    %sub3A_242 = arith.constant 1.000000e+00 : f32
    %sub3A_243 = vector.broadcast %sub3A_242 : f32 to vector<512x32xf32>
    %sub3A_244 = arith.subf %exp3A_241, %sub3A_243 : vector<512x32xf32>
    %select_n3A_245 = arith.select %gt3A_240, %div3A_237, %sub3A_244 : vector<512x32xi1>, vector<512x32xf32>
    %swap3A_246 = arith.constant 0 : index
    %swap3A_247 = arith.constant 192 : index
    %swap3A_248 = vector.load %arg5[%swap3A_246, %swap3A_247] : memref<512x256xf32, #tpu.memory_space<vmem>>, vector<512x32xf32>
    tpu.vector_store %arg5[%swap3A_246, %swap3A_247], %select_n3A_245 {strides = array<i32>} : memref<512x256xf32, #tpu.memory_space<vmem>>, vector<512x32xf32>,
    %slice3A_249 = vector.extract_strided_slice %get3A_28 {offsets = [0, 7], sizes = [512, 1], strides = [1, 1]} : vector<512x16xbf16> to vector<512x1xbf16>
    %slice3A_250 = vector.extract_strided_slice %get3A_28 {offsets = [0, 15], sizes = [512, 1], strides = [1, 1]} : vector<512x16xbf16> to vector<512x1xbf16>
    %slice3A_251 = vector.extract_strided_slice %get3A_31 {offsets = [7, 0], sizes = [1, 2048], strides = [1, 1]} : vector<16x2048xbf16> to vector<1x2048xbf16>
    %slice3A_252 = vector.extract_strided_slice %get3A_31 {offsets = [15, 0], sizes = [1, 2048], strides = [1, 1]} : vector<16x2048xbf16> to vector<1x2048xbf16>
    %mul3A_253 = vector.broadcast %slice3A_249 : vector<512x1xbf16> to vector<512x2048xbf16>
    %mul3A_254 = vector.broadcast %slice3A_251 : vector<1x2048xbf16> to vector<512x2048xbf16>
    %mul3A_255 = arith.mulf %mul3A_253, %mul3A_254 : vector<512x2048xbf16>
    %mul3A_256 = vector.broadcast %slice3A_250 : vector<512x1xbf16> to vector<512x2048xbf16>
    %mul3A_257 = vector.broadcast %slice3A_252 : vector<1x2048xbf16> to vector<512x2048xbf16>
    %mul3A_258 = arith.mulf %mul3A_256, %mul3A_257 : vector<512x2048xbf16>
    %max3A_259 = arith.maximumf %mul3A_255, %mul3A_258 : vector<512x2048xbf16>
    %mul3A_260 = arith.mulf %convert_element_type3A_24, %max3A_259 : vector<512x2048xbf16>
    %get3A_261 = arith.constant 0 : index
    %get3A_262 = arith.constant 896 : index
    %get3A_263 = vector.load %arg6[%get3A_261, %get3A_262] : memref<2048x1024xbf16, #tpu.memory_space<vmem>>, vector<2048x128xbf16>
    %dot_general3A_264 = arith.constant dense<0.000000e+00> : vector<512x128xf32>
    %dot_general3A_265 = tpu.matmul %mul3A_260, %get3A_263, %dot_general3A_264 {dimension_numbers = #tpu.dot_dimension_numbers<[1], [0], [0], [1], [0, 0, 1, 1], [], []>, transpose_lhs_hint = false} : vector<512x2048xbf16>, vector<2048x128xbf16>, vector<512x128xf32> -> vector<512x128xf32>
    %slice3A_266 = vector.extract_strided_slice %dot_general3A_265 {offsets = [0, 0], sizes = [512, 32], strides = [1, 1]} : vector<512x128xf32> to vector<512x32xf32>
    %slice3A_267 = vector.extract_strided_slice %dot_general3A_265 {offsets = [0, 32], sizes = [512, 1], strides = [1, 1]} : vector<512x128xf32> to vector<512x1xf32>
    %div3A_268 = vector.broadcast %slice3A_267 : vector<512x1xf32> to vector<512x32xf32>
    %div3A_269 = arith.divf %slice3A_266, %div3A_268 : vector<512x32xf32>
    %gt3A_270 = arith.constant 0.000000e+00 : f32
    %gt3A_271 = vector.broadcast %gt3A_270 : f32 to vector<512x32xf32>
    %gt3A_272 = arith.cmpf ogt, %div3A_269, %gt3A_271 : vector<512x32xf32>
    %exp3A_273 = math.exp %div3A_269 : vector<512x32xf32>
    %sub3A_274 = arith.constant 1.000000e+00 : f32
    %sub3A_275 = vector.broadcast %sub3A_274 : f32 to vector<512x32xf32>
    %sub3A_276 = arith.subf %exp3A_273, %sub3A_275 : vector<512x32xf32>
    %select_n3A_277 = arith.select %gt3A_272, %div3A_269, %sub3A_276 : vector<512x32xi1>, vector<512x32xf32>
    %swap3A_278 = arith.constant 0 : index
    %swap3A_279 = arith.constant 224 : index
    %swap3A_280 = vector.load %arg5[%swap3A_278, %swap3A_279] : memref<512x256xf32, #tpu.memory_space<vmem>>, vector<512x32xf32>
    tpu.vector_store %arg5[%swap3A_278, %swap3A_279], %select_n3A_277 {strides = array<i32>} : memref<512x256xf32, #tpu.memory_space<vmem>>, vector<512x32xf32>,
    %lt3A_281 = arith.constant 4 : i32
    %lt3A_282 = arith.cmpi slt, %arg0, %lt3A_281 : i32
    %convert_element_type3A_283 = arith.extui %lt3A_282 : i1 to i32
    %cond3A_284 = arith.constant 0 : i32
    %cond3A_285 = arith.cmpi ne, %convert_element_type3A_283, %cond3A_284 : i32
    scf.if %cond3A_285 {
      %get3A_286 = arith.constant 0 : index
      %get3A_287 = arith.constant 0 : index
      %get3A_288 = vector.load %arg5[%get3A_286, %get3A_287] : memref<512x256xf32, #tpu.memory_space<vmem>>, vector<512x256xf32>
      %mul3A_289 = arith.constant 512 : i32
      %mul3A_290 = arith.muli %select_n3A_7, %mul3A_289 : i32
      %swap3A_291 = arith.index_cast %mul3A_290 : i32 to index
      %swap3A_292 = arith.constant 0 : index
      %swap3A_293 = vector.load %arg9[%swap3A_291, %swap3A_292] : memref<2048x256xf32, #tpu.memory_space<vmem>>, vector<512x256xf32>
      tpu.vector_store %arg9[%swap3A_291, %swap3A_292], %get3A_288 {strides = array<i32>} : memref<2048x256xf32, #tpu.memory_space<vmem>>, vector<512x256xf32>,
    } else {
    }
    return
  }
  func.func @transform_0(%arg0: i32) -> (i32, i32) {
    %c0_i32 = arith.constant 0 : i32
    %c0_i32_0 = arith.constant 0 : i32
    %c0_i32_1 = arith.constant 0 : i32
    return %c0_i32, %c0_i32_0 : i32, i32
  }
  func.func @transform_1(%arg0: i32) -> (i32, i32, i32) {
    %jit3A = arith.constant 4 : i32
    %div3A = arith.divsi %arg0, %jit3A : i32
    %sign3A = arith.constant 0 : i32
    %sign3A_0 = arith.cmpi sgt, %arg0, %sign3A : i32
    %sign3A_1 = arith.extui %sign3A_0 : i1 to i32
    %sign3A_2 = arith.constant 0 : i32
    %sign3A_3 = arith.cmpi slt, %arg0, %sign3A_2 : i32
    %sign3A_4 = arith.extui %sign3A_3 : i1 to i32
    %sign3A_5 = arith.subi %sign3A_1, %sign3A_4 : i32
    %sign3A_6 = arith.constant 0 : i32
    %sign3A_7 = arith.cmpi sgt, %jit3A, %sign3A_6 : i32
    %sign3A_8 = arith.extui %sign3A_7 : i1 to i32
    %sign3A_9 = arith.constant 0 : i32
    %sign3A_10 = arith.cmpi slt, %jit3A, %sign3A_9 : i32
    %sign3A_11 = arith.extui %sign3A_10 : i1 to i32
    %sign3A_12 = arith.subi %sign3A_8, %sign3A_11 : i32
    %ne3A = arith.cmpi ne, %sign3A_5, %sign3A_12 : i32
    %rem3A = arith.remsi %arg0, %jit3A : i32
    %ne3A_13 = arith.constant 0 : i32
    %ne3A_14 = arith.cmpi ne, %rem3A, %ne3A_13 : i32
    %and3A = arith.andi %ne3A, %ne3A_14 : i1
    %sub3A = arith.constant 1 : i32
    %sub3A_15 = arith.subi %div3A, %sub3A : i32
    %select_n3A = arith.select %and3A, %sub3A_15, %div3A : i32
    %c0_i32 = arith.constant 0 : i32
    %c0_i32_16 = arith.constant 0 : i32
    %c0_i32_17 = arith.constant 0 : i32
    return %select_n3A, %c0_i32, %c0_i32_16 : i32, i32, i32
  }
  func.func @transform_2(%arg0: i32) -> (i32, i32, i32) {
    %jit3A = arith.constant 4 : i32
    %div3A = arith.divsi %arg0, %jit3A : i32
    %sign3A = arith.constant 0 : i32
    %sign3A_0 = arith.cmpi sgt, %arg0, %sign3A : i32
    %sign3A_1 = arith.extui %sign3A_0 : i1 to i32
    %sign3A_2 = arith.constant 0 : i32
    %sign3A_3 = arith.cmpi slt, %arg0, %sign3A_2 : i32
    %sign3A_4 = arith.extui %sign3A_3 : i1 to i32
    %sign3A_5 = arith.subi %sign3A_1, %sign3A_4 : i32
    %sign3A_6 = arith.constant 0 : i32
    %sign3A_7 = arith.cmpi sgt, %jit3A, %sign3A_6 : i32
    %sign3A_8 = arith.extui %sign3A_7 : i1 to i32
    %sign3A_9 = arith.constant 0 : i32
    %sign3A_10 = arith.cmpi slt, %jit3A, %sign3A_9 : i32
    %sign3A_11 = arith.extui %sign3A_10 : i1 to i32
    %sign3A_12 = arith.subi %sign3A_8, %sign3A_11 : i32
    %ne3A = arith.cmpi ne, %sign3A_5, %sign3A_12 : i32
    %rem3A = arith.remsi %arg0, %jit3A : i32
    %ne3A_13 = arith.constant 0 : i32
    %ne3A_14 = arith.cmpi ne, %rem3A, %ne3A_13 : i32
    %and3A = arith.andi %ne3A, %ne3A_14 : i1
    %sub3A = arith.constant 1 : i32
    %sub3A_15 = arith.subi %div3A, %sub3A : i32
    %select_n3A = arith.select %and3A, %sub3A_15, %div3A : i32
    %c0_i32 = arith.constant 0 : i32
    %c0_i32_16 = arith.constant 0 : i32
    %c0_i32_17 = arith.constant 0 : i32
    return %select_n3A, %c0_i32, %c0_i32_16 : i32, i32, i32
  }
  func.func @transform_3(%arg0: i32) -> (i32, i32) {
    %jit3A = arith.constant 4 : i32
    %eq3A = arith.constant 0 : i32
    %eq3A_0 = arith.cmpi eq, %jit3A, %eq3A : i32
    %jit3A_1 = arith.constant 1 : i32
    %select_n3A = arith.select %eq3A_0, %jit3A_1, %jit3A : i32
    %rem3A = arith.remsi %arg0, %select_n3A : i32
    %ne3A = arith.constant 0 : i32
    %ne3A_2 = arith.cmpi ne, %rem3A, %ne3A : i32
    %lt3A = arith.constant 0 : i32
    %lt3A_3 = arith.cmpi slt, %rem3A, %lt3A : i32
    %lt3A_4 = arith.constant 0 : i32
    %lt3A_5 = arith.cmpi slt, %select_n3A, %lt3A_4 : i32
    %ne3A_6 = arith.xori %lt3A_3, %lt3A_5 : i1
    %and3A = arith.andi %ne3A_6, %ne3A_2 : i1
    %add3A = arith.addi %rem3A, %select_n3A : i32
    %select_n3A_7 = arith.select %and3A, %add3A, %rem3A : i32
    %c0_i32 = arith.constant 0 : i32
    %c0_i32_8 = arith.constant 0 : i32
    return %select_n3A_7, %c0_i32 : i32, i32
  }
  func.func @transform_4(%arg0: i32) -> (i32, i32) {
    %sub3A = arith.constant 4 : i32
    %sub3A_0 = arith.subi %arg0, %sub3A : i32
    %max3A = arith.constant 0 : i32
    %max3A_1 = arith.maxsi %sub3A_0, %max3A : i32
    %c0_i32 = arith.constant 0 : i32
    %c0_i32_2 = arith.constant 0 : i32
    return %max3A_1, %c0_i32 : i32, i32
  }
}

</mosaic_0001>

<sc_bundles>
// kernel: kernel.4.cloned.1.call-start
scs
__scs_entry_jumppad:
0x0: {  	(pc) =	sbr.rel $0x88, $3  }
0x1: {  	(tag) =	ssettag $0x0;
	lr =	simm.s32 $0x1  }
0x2: {  	[smem:$0x3F9C] =	sst lr;
	_ =	strace $0xD0000000  }
0x3: {  	_ = 	snop  }
0x4: {  	_ = 	snop  }
0x5: {  	_ = 	snop  }
0x6: {  	_ = 	snop  }
0x7: {  	_ = 	snop  }
__scs_overlays_trampoline_lowered:
0x8: {  	[smem:$0x3FAB] =	sst s0  }
0x9: {  	[smem:$0x3FAC] =	sst s1  }
0xa: {  	[smem:$0x3FAD] =	sst s2  }
0xb: {  	[smem:$0x3FAE] =	sst s3  }
0xc: {  	[smem:$0x3FAF] =	sst s4  }
0xd: {  	[smem:$0x3FB0] =	sst s5  }
0xe: {  	[smem:$0x3FB1] =	sst s6  }
0xf: {  	[smem:$0x3FB2] =	sst s7  }
0x10: {  	[smem:$0x3FB3] =	sst s8  }
0x11: {  	[smem:$0x3FB4] =	sst s9;
	s0 =	simm.s32 @!p0 $0x0  }
0x12: {  	s1 =	sld [smem:$0x3F9A];
	s0 =	simm.s32 @p0 $0x1  }
0x13: {  	[smem:$0x3FB5] =	sst s0;
	s0 =	simm.s32 @!p1 $0x0  }
0x14: {  	s2 =	sld [smem:$0x3F99];
	s0 =	simm.s32 @p1 $0x1  }
0x15: {  	[smem:$0x3FB6] =	sst s0;
	s0 =	simm.s32 @!p2 $0x0  }
0x16: {  	s3 =	sld [smem:$0x3FDB];
	s0 =	simm.s32 @p2 $0x1  }
0x17: {  	s4 =	simm.s32 $0x1BF5;
	[smem:$0x3FB8] =	sst s0  }
0x18: {  	s0 =	sld [smem:$0x3F9B];
	_ =	swait.ge [sflag:s4], $0x0  }
0x19: {  	s7 =	sld [smem:$0x3F9C]  }
0x1a: {  	s8 =	sadd.s32 $0xFFFFE003, lr  }
0x1b: {  	s9 =	sadd.s32 $0xFFFFFEF7, lr;
	s5 =	simm.s32 $0xFFFFFFFF;
	p2 =	slt.u32 s8, $0xFFFFF086  }
0x1c: {  	p1 =	slt.u32 s9, $0xF7A;
	s5 =	simm.s32 @!p2 $0x0  }
0x1d: {  	s5 =	simm.s32 @p1 $0x1;
	p0 =	seq.s32 s7, s2  }
0x1e: {  	s7 =	smul.u32 @!p0 $0xF7A, s2;
	p2 =	seq.s32 @!p0 s5, $0x0  }
0x1f: {  	s9 =	smul.u32 $0xF7A, s1;
	s8 =	simm.s32 @!p0 $0x1BF5;
	p2 =	por !p2, p0  }
0x20: {  	[sflag:s8] =	ssyncset.s32 @!p0 $0xFFFFF086;
	s6 =	sadd.s32 @!p0 s3, s7;
	s7 =	simm.s32 @!p0 $0x108  }
0x21: {  	s3 =	sadd.s32 s3, s9;
	s6 =	sadd.s32 @!p0 $0x88, s6;
	s7 =	simm.s32 @p2 $0x1082  }
0x22: {  	[simem:s7], [sflag:s8] =	dma.local @!p0 [hbm:s6], $0xF7A  }
0x23: {  	s9 =	sor.u32 $0xD0000000, s2;
	s6 =	simm.s32 $0x108;
	_ =	swait.ge @!p0 [sflag:s8], $0x0  }
0x24: {  	s3 =	sadd.s32 $0x88, s3;
	s6 =	simm.s32 @!p1 $0x1082;
	[sflag:s4] =	ssyncset.s32 $0xFFFFF086  }
0x25: {  	[simem:s6], [sflag:s4] =	dma.local [hbm:s3], $0xF7A  }
0x26: {  	[smem:$0x3F9C] =	sst s1;
	(tag) =	ssettag s2;
	_ =	strace s9  }
0x27: {  	s1 =	sld [smem:$0x3FAC]  }
0x28: {  	s2 =	sld [smem:$0x3FAD]  }
0x29: {  	s4 =	sld [smem:$0x3FAF]  }
0x2a: {  	p0 =	seq.s32 s5, $0x0;
	s5 =	sld [smem:$0x3FB0]  }
0x2b: {  	s6 =	sld [smem:$0x3FB1]  }
0x2c: {  	s7 =	sld [smem:$0x3FB2]  }
0x2d: {  	s3 =	simm.s32 $0x108;
	s8 =	sld [smem:$0x3FB3]  }
0x2e: {  	s3 =	simm.s32 @!p0 $0x1082;
	s9 =	sld [smem:$0x3FB4]  }
0x2f: {  	lr =	sadd.s32 s0, s3;
	s0 =	sld [smem:$0x3FAB]  }
0x30: {  	s3 =	sld [smem:$0x3FAE]  }
0x31: {  	[smem:$0x3FB7] =	sst s10  }
0x32: {  	s10 =	sld [smem:$0x3FB5];
	_ =	sdelay $0x3  }
0x33: {  	p0 =	seq.s32 s10, $0x1;
	s10 =	sld [smem:$0x3FB7];
	_ =	sdelay $0x3  }
0x34: {  	[smem:$0x3FB7] =	sst s10  }
0x35: {  	s10 =	sld [smem:$0x3FB6];
	_ =	sdelay $0x3  }
0x36: {  	p1 =	seq.s32 s10, $0x1;
	s10 =	sld [smem:$0x3FB7];
	_ =	sdelay $0x3  }
0x37: {  	[smem:$0x3FB7] =	sst s10  }
0x38: {  	s10 =	sld [smem:$0x3FB8]  }
0x39: {  	_ = 	snop;
	(pc) =	sbr.ind lr, $3  }
0x3a: {  	_ = 	snop  }
0x3b: {  	_ = 	snop  }
0x3c: {  	p2 =	seq.s32 s10, $0x1;
	s10 =	sld [smem:$0x3FB7]  }
0x3d: {  	_ =	shalt  }
0x3e: {  	_ =	shalt  }
0x3f: {  	_ =	shalt  }
0x40: {  	_ =	shalt  }
0x41: {  	_ =	shalt  }
0x42: {  	_ =	shalt  }
0x43: {  	_ =	shalt  }
0x44: {  	_ =	shalt  }
0x45: {  	_ =	shalt  }
0x46: {  	_ =	shalt  }
0x47: {  	_ =	shalt  }
0x48: {  	_ =	shalt  }
0x49: {  	_ =	shalt  }
0x4a: {  	_ =	shalt  }
0x4b: {  	_ =	shalt  }
0x4c: {  	_ =	shalt  }
0x4d: {  	_ =	shalt  }
0x4e: {  	_ =	shalt  }
0x4f: {  	_ =	shalt  }
0x50: {  	_ =	shalt  }
0x51: {  	_ =	shalt  }
0x52: {  	_ =	shalt  }
0x53: {  	_ =	shalt  }
0x54: {  	_ =	shalt  }
0x55: {  	_ =	shalt  }
0x56: {  	_ =	shalt  }
0x57: {  	_ =	shalt  }
0x58: {  	_ =	shalt  }
0x59: {  	_ =	shalt  }
0x5a: {  	_ =	shalt  }
0x5b: {  	_ =	shalt  }
0x5c: {  	_ =	shalt  }
0x5d: {  	_ =	shalt  }
0x5e: {  	_ =	shalt  }
0x5f: {  	_ =	shalt  }
0x60: {  	_ =	shalt  }
0x61: {  	_ =	shalt  }
0x62: {  	_ =	shalt  }
0x63: {  	_ =	shalt  }
0x64: {  	_ =	shalt  }
0x65: {  	_ =	shalt  }
0x66: {  	_ =	shalt  }
0x67: {  	_ =	shalt  }
0x68: {  	_ =	shalt  }
0x69: {  	_ =	shalt  }
0x6a: {  	_ =	shalt  }
0x6b: {  	_ =	shalt  }
0x6c: {  	_ =	shalt  }
0x6d: {  	_ =	shalt  }
0x6e: {  	_ =	shalt  }
0x6f: {  	_ =	shalt  }
0x70: {  	_ =	shalt  }
0x71: {  	_ =	shalt  }
0x72: {  	_ =	shalt  }
0x73: {  	_ =	shalt  }
0x74: {  	_ =	shalt  }
0x75: {  	_ =	shalt  }
0x76: {  	_ =	shalt  }
0x77: {  	_ =	shalt  }
0x78: {  	_ =	shalt  }
0x79: {  	_ =	shalt  }
0x7a: {  	_ =	shalt  }
0x7b: {  	_ =	shalt  }
0x7c: {  	_ =	shalt  }
0x7d: {  	_ =	shalt  }
0x7e: {  	_ =	shalt  }
0x7f: {  	_ =	shalt  }
0x80: {  	_ =	shalt  }
0x81: {  	_ =	shalt  }
0x82: {  	_ =	shalt  }
0x83: {  	_ =	shalt  }
0x84: {  	_ =	shalt  }
0x85: {  	_ =	shalt  }
0x86: {  	_ =	shalt  }
0x87: {  	_ =	shalt  }
.Lfunc_end0:
.L_simem_size_0:
called_computation_lowered:
.L_overlay_start_0:
0x88: {  	s2 =	sld [smem:$0x3FD9]  }
0x89: {  	s3 =	sld [smem:$0x3FFE];
	_ =	sdelay $0x1  }
0x8a: {  	s1 =	srdreg.scid  }
0x8b: {  	s0 =	sand.u32 $0x1, s1  }
0x8c: {  	s18 =	sshll.u32 s0, $0xA;
	s2 =	sadd.s32 s3, s2  }
0x8d: {  	s2 =	sadd.s32 s2, s18  }
0x8e: {  	[smem:$0x3FC3] =	sst s2  }
0x8f: {  	_ = 	snop  }
0x90: {  	s2 =	sld [smem:$0x3FC9]  }
0x91: {  	s19 =	sld [smem:$0x3FC7]  }
0x92: {  	s4 =	sld [smem:$0x3FD0];
	(tm) =	ssettm $0x1  }
0x93: {  	s5 =	sld [smem:$0x3FFB];
	_ =	sdelay $0x3  }
0x94: {  	_ =	strace s5  }
0x95: {  	s5 =	sld [smem:$0x3FFC];
	_ =	sdelay $0x3  }
0x96: {  	_ =	strace s5  }
0x97: {  	s5 =	sld [smem:$0x3FFD];
	_ =	sdelay $0x3  }
0x98: {  	_ =	strace s5  }
0x99: {  	_ =	strace $0x8FFFFFFF  }
0x9a: {  	s20 =	sld [smem:$0x3FDB];
	_ =	sdelay $0x1  }
0x9b: {  	s6 =	simm.s32 $_scs_section_size  }
0x9c: {  	s7 =	simm.s32 $_size__tile_overlayer_lowered;
	s8 =	simm.s32 $_tile_overlayer_lowered  }
0x9d: {  	s23 =	simm.s32 $0x1BFF;
	s22 =	sshll.u32 s8, $0x1;
	s5 =	sadd.s32 s6, s20  }
0x9e: {  	s9 =	simm.s32 $0x0;
	s21 =	sshll.u32 s7, $0x1;
	s7 =	sadd.s32 s22, s5  }
0x9f: {  	[timem:s9], [sflag:s23] =	dma.local [hbm:s7], s21  }
0xa0: {  	_ =	swait.ge [sflag:s23], s21  }
0xa1: {  	s6 =	ssub.s32 $0x0, s21;
	[sflag:s23] =	ssyncset.done $0x0  }
0xa2: {  	[sflag:s23] =	ssyncadd.s32 s6;
	_ =	sdelay $0x1  }
0xa3: {  	s24 =	simm.s32 $0x1B8B  }
0xa4: {  	_ =	swait.ge [sflag:s24], $0x1  }
0xa5: {  	[sflag:s24] =	ssyncset.done $0x0  }
0xa6: {  	s25 =	simm.s32 $0x1B8E;
	[sflag:s24] =	ssyncadd.s32 $0xFFFFFFFF  }
0xa7: {  	s26 =	simm.s32 $execute0_lowered;
	[smem:$0x3FD2] =	sst s25  }
0xa8: {  	s6 =	sshll.u32 s26, $0x1;
	_ =	strace $0x80000046;
	[dreg:$0x1] =	wrdreg $0xFFFFFFFF  }
0xa9: {  	s28 =	simm.s32 $_size_execute0_lowered;
	s5 =	sadd.s32 s5, s6;
	[dreg:$0x0] =	wrdreg $0x0  }
0xaa: {  	s6 =	sshll.u32 s28, $0x1;
	[dreg:$0x2] =	wrdreg s5  }
0xab: {  	[dreg:$0x3] =	wrdreg s6  }
0xac: {  	[dreg:$0x4] =	wrdreg $0xC0  }
0xad: {  	_ =	task [dreg:s9], $0x5FFFF  }
0xae: {  	[dreg:$0x1] =	wrdreg $0xFFFFFFFF  }
0xaf: {  	[dreg:$0x0] =	wrdreg $0x60  }
0xb0: {  	[dreg:$0x2] =	wrdreg s19  }
0xb1: {  	[dreg:$0x3] =	wrdreg s2  }
0xb2: {  	[dreg:$0x4] =	wrdreg s4  }
0xb3: {  	[dreg:$0x5] =	wrdreg $0x9  }
0xb4: {  	_ =	task.clear_ibuf [dreg:s9], $0x6FFFF;
	_ =	strace $0x90000046  }
0xb5: {  	s29 =	simm.s32 $0x9;
	_ =	strace $0x80000048  }
0xb6: {  	_ =	swait.ge [sflag:s29], $0x1  }
0xb7: {  	[sflag:s29] =	ssyncadd.s32 $0xFFFFFFFF  }
0xb8: {  	_ =	strace $0x90000048  }
0xb9: {  	_ =	sfence  }
0xba: {  	s30 =	sld [smem:$0x0];
	_ =	sdelay $0x2  }
0xbb: {  	s31 =	sshll.u32 s1, $0xD;
	s1 =	sshrl.u32 s1, $0x2  }
0xbc: {  	s3 =	sand.u32 $0x4000, s31;
	s1 =	sadd.s32 s1, s30  }
0xbd: {  	s0 =	sor.u32 s3, s0;
	s1 =	sshll.u32 s1, $0x11  }
0xbe: {  	s0 =	sor.u32 s1, s0  }
0xbf: {  	s0 =	sadd.s32 $0x8F2B, s0  }
0xc0: {  	[sflag:s0] =	ssyncadd.remote.s32 $0x1  }
0xc1: {  	_ =	sfence.sel $0xFFFF  }
0xc2: {  	[dreg:$0x0] =	wrdreg $0xFFFFFFFF;
	(pc) =	sbr.abs _section_cstart, $3  }
0xc3: {  	[dreg:$0x1] =	wrdreg $0xFFFFFFFF  }
0xc4: {  	_ =	task.clear_ibuf [dreg:s9], $0x2FFFF;
	_ =	strace $0x9FFFFFFF  }
0xc5: {  	(tm) =	ssettm $0x7FFFFFFF  }
tec
execute0_lowered:
.L_overlay_start_1:
0x0: {  	(tag) =	ssettag $0x1  }
0x1: {  	s1 =	rddreg [dreg:$0x0]  }
0x2: {  	s4 =	rddreg [dreg:$0x1]  }
0x3: {  	s5 =	rddreg [dreg:$0x2];
	s3 =	srdreg.scid  }
0x4: {  	s0 =	rddreg [dreg:$0x3];
	s2 =	stileid.u32;
	s10 =	simm.s32 $0x1080  }
0x5: {  	s11 =	simm.s32 $0x1880;
	s12 =	simm.s32 $0x2080;
	s13 =	simm.s32 $0x2880  }
0x6: {  	s14 =	simm.s32 $0x3080;
	s15 =	simm.s32 $0x3880;
	s16 =	simm.s32 $0x1  }
0x7: {  	s6 =	sand.u32 $0x1, s3;
	s3 =	simm.s32 $0x0;
	s7 =	sshll.u32 s2, $0x7  }
0x8: {  	s8 =	sshll.u32 s6, $0x6;
	[smem:$0x7FF] =	sst s3;
	s6 =	ssub.s32 $0x2, s6  }
0x9: {  	s7 =	sor.u32 s8, s7;
	_ =	strace $0x80000047;
	s31 =	sshrl.u32 s6, $0x1  }
0xa: {  	v2 =	vlaneseq.u32;
	s8 =	simm.s32 $0x80;
	s9 =	sshrl.u32 s7, $0x3;
	s7 =	sshll.u32 s7, $0x5  }
0xb: {  	vm0 =	vmmov $0xffff;
	v1 =	vshrl.u32 v2, $0x3;
	s6 =	ssub.s32 s6, s31;
	s4 =	sadd.s32 s4, s9;
	s5 =	sadd.s32 s5, s7  }
0xc: {  	v0 =	vand.u32 $0x7, v2;
	v2 =	vor.u32 $0x8, v2;
	v1 =	vmul.u32 $0x8, v1;
	s6 =	smax.u32 s6, $0x1;
	s7 =	simm.s32 $0x2;
	s9 =	simm.s32 $0x880  }
.LBB2_1:
0xd: {  	[tilespmem:s3], [sflag:$0x2] =	stream.linear.gather [hbm4b:s4+s3], $0x40, $0x38;
	[tilespmem:$0x4080] =	vst v63  }
0xe: {  	_ =	swait.ge [sflag:s7], $0x40  }
0xf: {  	[sflag:s7] =	ssyncset.done $0x0  }
0x10: {  	[sflag:s7] =	ssyncadd.s32 $0xFFFFFFC0  }
0x11: {  	v3 =	vld [tilespmem:$0x0];
	_ =	sdelay $0x4  }
0x12: {  	v4 =	vshll.u32 v3, $0x1  }
0x13: {  	v3 =	vand.u32 $0x7, v3;
	v4 =	vand.u32 $0xFFFFFFF0, v4  }
0x14: {  	v3 =	vor.u32 v3, v4  }
0x15: {  	v4 =	vperm.xlane v3, v0;
	_ =	sdelay $0x1  }
0x16: {  	v3 =	vperm.xlane v3, v2;
	v4 =	vadd.s32 v1, v4;
	_ =	sdelay $0x1  }
0x17: {  	v3 =	vadd.s32 v1, v3;
	_ =	sdelay $0x2  }
0x18: {  	[tilespmem:s8], [sflag:$0x1] =	stream.indirect_vreg.gather [hbm4b:s1+s3], $0x80, v4, vm0, $0xb8;
	[tilespmem:$0x4080] =	vst v63  }
0x19: {  	_ = 	snop  }
0x1a: {  	[tilespmem:s9], [sflag:$0x1] =	stream.indirect_vreg.gather [hbm4b:s1+s3], $0x80, v3, vm0, $0xb8;
	[tilespmem:$0x4080] =	vst v63  }
0x1b: {  	v3 =	vld [tilespmem:$0x10];
	_ =	sdelay $0x4  }
0x1c: {  	v61 =	vshll.u32 v3, $0x1  }
0x1d: {  	v3 =	vand.u32 $0x7, v3;
	v4 =	vand.u32 $0xFFFFFFF0, v61  }
0x1e: {  	v3 =	vor.u32 v3, v4  }
0x1f: {  	v4 =	vperm.xlane v3, v0;
	_ =	sdelay $0x1  }
0x20: {  	v3 =	vperm.xlane v3, v2;
	v4 =	vadd.s32 v1, v4;
	_ =	sdelay $0x1  }
0x21: {  	v3 =	vadd.s32 v1, v3;
	_ =	sdelay $0x2  }
0x22: {  	[tilespmem:s10], [sflag:$0x1] =	stream.indirect_vreg.gather [hbm4b:s1+s3], $0x80, v4, vm0, $0xb8;
	[tilespmem:$0x4080] =	vst v63  }
0x23: {  	_ = 	snop  }
0x24: {  	[tilespmem:s11], [sflag:$0x1] =	stream.indirect_vreg.gather [hbm4b:s1+s3], $0x80, v3, vm0, $0xb8;
	[tilespmem:$0x4080] =	vst v63  }
0x25: {  	v3 =	vld [tilespmem:$0x20];
	_ =	sdelay $0x4  }
0x26: {  	v62 =	vshll.u32 v3, $0x1  }
0x27: {  	v3 =	vand.u32 $0x7, v3;
	v4 =	vand.u32 $0xFFFFFFF0, v62  }
0x28: {  	v3 =	vor.u32 v3, v4  }
0x29: {  	v4 =	vperm.xlane v3, v0;
	_ =	sdelay $0x1  }
0x2a: {  	v3 =	vperm.xlane v3, v2;
	v4 =	vadd.s32 v1, v4;
	_ =	sdelay $0x1  }
0x2b: {  	v3 =	vadd.s32 v1, v3;
	_ =	sdelay $0x2  }
0x2c: {  	[tilespmem:s12], [sflag:$0x1] =	stream.indirect_vreg.gather [hbm4b:s1+s3], $0x80, v4, vm0, $0xb8;
	[tilespmem:$0x4080] =	vst v63  }
0x2d: {  	_ = 	snop  }
0x2e: {  	[tilespmem:s13], [sflag:$0x1] =	stream.indirect_vreg.gather [hbm4b:s1+s3], $0x80, v3, vm0, $0xb8;
	[tilespmem:$0x4080] =	vst v63  }
0x2f: {  	v3 =	vld [tilespmem:$0x30];
	_ =	sdelay $0x4  }
0x30: {  	v63 =	vshll.u32 v3, $0x1  }
0x31: {  	v3 =	vand.u32 $0x7, v3;
	v4 =	vand.u32 $0xFFFFFFF0, v63  }
0x32: {  	v3 =	vor.u32 v3, v4  }
0x33: {  	v4 =	vperm.xlane v3, v0;
	_ =	sdelay $0x1  }
0x34: {  	v3 =	vperm.xlane v3, v2;
	v4 =	vadd.s32 v1, v4;
	_ =	sdelay $0x1  }
0x35: {  	v3 =	vadd.s32 v1, v3;
	_ =	sdelay $0x2  }
0x36: {  	[tilespmem:s14], [sflag:$0x1] =	stream.indirect_vreg.gather [hbm4b:s1+s3], $0x80, v4, vm0, $0xb8;
	[tilespmem:$0x4080] =	vst v63  }
0x37: {  	_ = 	snop  }
0x38: {  	[tilespmem:s15], [sflag:$0x1] =	stream.indirect_vreg.gather [hbm4b:s1+s3], $0x80, v3, vm0, $0xb8;
	[tilespmem:$0x4080] =	vst v63  }
0x39: {  	_ =	swait.ge [sflag:s16], $0x4000  }
0x3a: {  	p0 =	sne.s32 s6, $0x1;
	[sflag:s16] =	ssyncset.done $0x0  }
.Ltmp0:
0x3b: {  	[sflag:s16] =	ssyncadd.s32 $0xFFFFC000;
	(pc) =	sbr.rel @p0 .LBB2_1-.Ltmp0, $4  }
0x3c: {  	[hbm4b:s5+s3] =	stream.linear.scatter [tilespmem:s8], [sflag:$0x2], $0x4000, $0x38;
	[tilespmem:$0x4080] =	vst v63  }
0x3d: {  	_ =	swait.ge [sflag:s7], $0x4000  }
0x3e: {  	[sflag:s7] =	ssyncset.done $0x0  }
0x3f: {  	s6 =	sadd.s32 $0xFFFFFFFF, s6;
	[sflag:s7] =	ssyncadd.s32 $0xFFFFC000  }
0x40: {  	_ =	sfence.sel $0x180000  }
0x41: {  	[bflag:$0x0] =	sbarrier.arrive $0xFFFF  }
0x42: {  	p0 =	sne.s32 s2, $0x0;
	_ =	strace $0x90000047  }
0x43: {  	s0 =	sadd.s32 @!p0 $0x100000, s0;
	[bflag:$0x2] =	sbarrier.arrive $0xFFFF  }
0x44: {  	[sflag:s0] =	ssyncadd.tile.s32 @!p0 $0x1;
	_ =	shalt  }
.Lfunc_end2:
_tile_overlayer_lowered:
.L_overlay_start_2:
0x45: {  	(tag) =	ssettag $0x2  }
0x46: {  	s0 =	rddreg [dreg:$0x0];
	s2 =	stileid.u32  }
0x47: {  	s1 =	rddreg [dreg:$0x1];
	p0 =	sne.s32 s2, $0x0  }
0x48: {  	s3 =	rddreg [dreg:$0x2];
	[bflag:$0x3] =	sbarrier.arrive $0xFFFF;
	s2 =	simm.s32 @!p0 $0x1C02  }
0x49: {  	[timem:s3], [sflag:s2] =	dma.local @!p0 [hbm:s0], s1  }
0x4a: {  	s0 =	simm.s32 @!p0 $0x2  }
0x4b: {  	_ =	swait.ge @!p0 [sflag:s0], s1  }
0x4c: {  	s1 =	ssub.s32 @!p0 $0x0, s1;
	[sflag:s0] =	ssyncset.done @!p0 $0x0  }
0x4d: {  	[sflag:s0] =	ssyncadd.s32 @!p0 s1  }
0x4e: {  	[bflag:$0x3] =	sbarrier.arrive $0xFFFF  }
0x4f: {  	_ =	shalt  }

</sc_bundles>
